<compile_context>
chip_gen: v7x
topology: tpu7x:2x2x1
jax: 0.10.2.dev20260603
libtpu: 0.0.44.dev20260713+nightly
codegen_flags: <defaults>
</compile_context>

<pallas_src>
import functools

import jax
import jax.numpy as jnp
from jax import lax
from jax.experimental import pallas as pl
from jax.experimental.pallas import tpu as pltpu
from jax.experimental.pallas import tpu_sc as plsc

_CHUNK = 128
_NBUF = 4


@functools.cache
def _make_gather(n_rows, n_vocab, d):
    info = plsc.get_sparse_core_info()
    nc, ns = info.num_cores, info.num_subcores
    nw = nc * ns
    b_per_w = n_rows // nw
    n_chunks = b_per_w // _CHUNK
    n_groups = n_chunks // _NBUF
    mesh = plsc.VectorSubcoreMesh(core_axis_name="c", subcore_axis_name="s")

    @functools.partial(
        pl.kernel,
        mesh=mesh,
        compiler_params=pltpu.CompilerParams(needs_layout_passes=False),
        out_type=jax.ShapeDtypeStruct((n_rows, d), jnp.float32),
        scratch_types=[
            pltpu.VMEM_SHARED((n_vocab, d), jnp.float32),
            pltpu.VMEM((b_per_w,), jnp.int32),
            pltpu.VMEM((_NBUF, _CHUNK, d), jnp.float32),
            pltpu.SemaphoreType.DMA((_NBUF,)),
            pltpu.SemaphoreType.DMA((_NBUF,)),
        ],
    )
    def gather_kernel(
        tab_hbm, idx_hbm, out_hbm, table_sh, idx_v, rows_v, sem_g, sem_o
    ):
        sid = lax.axis_index("s")
        wid = sid * nc + lax.axis_index("c")
        base = wid * b_per_w

        s_sz = (n_vocab + ns - 1) // ns
        s_last = n_vocab - (ns - 1) * s_sz
        idx_cp = pltpu.make_async_copy(
            idx_hbm.at[pl.ds(base, b_per_w)], idx_v, sem_o.at[0]
        )
        idx_cp.start()

        @pl.when(sid < ns - 1)
        def _():
            pltpu.sync_copy(
                tab_hbm.at[pl.ds(sid * s_sz, s_sz)],
                table_sh.at[pl.ds(sid * s_sz, s_sz)],
            )

        @pl.when(sid == ns - 1)
        def _():
            pltpu.sync_copy(
                tab_hbm.at[pl.ds((ns - 1) * s_sz, s_last)],
                table_sh.at[pl.ds((ns - 1) * s_sz, s_last)],
            )

        idx_cp.wait()
        plsc.subcore_barrier()

        def g_copy(i, b):
            return pltpu.make_async_copy(
                table_sh.at[idx_v.at[pl.ds(i * _CHUNK, _CHUNK)]],
                rows_v.at[b],
                sem_g.at[b],
            )

        def o_copy(i, b):
            return pltpu.make_async_copy(
                rows_v.at[b],
                out_hbm.at[pl.ds(base + i * _CHUNK, _CHUNK)],
                sem_o.at[b],
            )

        def step(i, b, wait_prev, start_next):
            g_copy(i, b).wait()
            o_copy(i, b).start()
            if wait_prev:
                o_copy(i - 1, (b - 1) % _NBUF).wait()
            if start_next:
                g_copy(i + _NBUF - 1, (b + _NBUF - 1) % _NBUF).start()

        for b in range(_NBUF - 1):
            g_copy(b, b).start()

        for b in range(_NBUF):
            step(b, b, wait_prev=(b > 0), start_next=True)

        def group(j, carry):
            i0 = j * _NBUF
            for b in range(_NBUF):
                step(i0 + b, b, wait_prev=True, start_next=True)
            return carry

        lax.fori_loop(1, n_groups - 1, group, 0)

        i0 = (n_groups - 1) * _NBUF
        step(i0, 0, wait_prev=True, start_next=True)
        for b in range(1, _NBUF):
            step(i0 + b, b, wait_prev=False, start_next=False)

        for b in range(_NBUF):
            o_copy(i0 + b, b).wait()

    return gather_kernel


def kernel(seq_indices, pe):
    batch, seq_len = seq_indices.shape
    d = pe.shape[-1]
    n_vocab = pe.shape[1]
    n_rows = batch * seq_len
    flat_idx = seq_indices.reshape(n_rows)
    table = pe[0]
    out = _make_gather(n_rows, n_vocab, d)(table, flat_idx)
    return out.reshape(batch, seq_len, d)

# --- scband reference (transcript-rebuilt; emitter-appended) ---
"""Pipeline reference for scband-temporal-positional-encoding-12635793784969 (READ-ONLY COPY).

The authoritative reference and input builder live on the scoring server;
editing this copy changes nothing except your own understanding.
"""

import jax, jax.numpy as jnp
import numpy as np
import math

D_MODEL = 128
MAX_LEN = 500
BATCH = 4096
SEQ_LEN = 200


def make_pe(d_model=D_MODEL, max_len=MAX_LEN):
    position = np.arange(0, max_len).astype(np.float32)[:, None]
    div_term = np.exp(np.arange(0, d_model, 2).astype(np.float32) * -(math.log(10000.0) / d_model))
    pe = np.zeros((1, max_len, d_model), dtype=np.float32)
    pe[0, :, 0::2] = np.sin(position * div_term)
    pe[0, :, 1::2] = np.cos(position * div_term)
    return jnp.asarray(pe)


def setup_inputs(seed: int = 0) -> dict:
    key = jax.random.key(seed)
    seq_indices = jax.random.randint(key, (BATCH, SEQ_LEN), 0, MAX_LEN, dtype=jnp.int32)
    pe = make_pe()
    return {"seq_indices": seq_indices, "pe": pe}


def reference(seq_indices, pe):
    batch_size, seq_len = seq_indices.shape
    flat_idx = seq_indices.reshape(-1)
    pe_embeddings = jnp.take(pe[0], flat_idx, axis=0).reshape(batch_size, seq_len, -1)
    return pe_embeddings

if __name__ == "__main__":
    import jax
    _d = setup_inputs()
    print(jax.jit(kernel)(*tuple(_d.values())))

</pallas_src>

<mosaic_0001>
#map = affine_map<(d0, d1) -> (0, 0)>
#map1 = affine_map<(d0, d1) -> (0)>
module attributes {stable_mosaic.version = 14 : i64} {
  func.func @gather_kernel(%arg0: i32, %arg1: i32, %arg2: memref<500x128xf32, #tpu.memory_space<hbm>>, %arg3: memref<819200xi32, #tpu.memory_space<hbm>>, %arg4: memref<819200x128xf32, #tpu.memory_space<hbm>>, %arg5: memref<500x128xf32, #tpu.memory_space<vmem_shared>>, %arg6: memref<25600xi32, #tpu.memory_space<vmem>>, %arg7: memref<4x128x128xf32, #tpu.memory_space<vmem>>, %arg8: memref<4x!tpu.dma_semaphore, #tpu.memory_space<semaphore_mem>>, %arg9: memref<4x!tpu.dma_semaphore, #tpu.memory_space<semaphore_mem>>) attributes {dimension_semantics = [#tpu.dimension_semantics<core_parallel>, #tpu.dimension_semantics<subcore_parallel>], iteration_bounds = array<i64: 2, 16>, scalar_prefetch = 0 : i64, scratch_operands = 5 : i64, tpu.core_type = #tpu.core_type<sc_vector_subcore>, window_params = [{transform_indices = #map}, {transform_indices = #map1}, {transform_indices = #map}]} {
    %mul3A = arith.constant 2 : i32
    %mul3A_0 = arith.muli %arg1, %mul3A : i32
    %add3A = arith.addi %mul3A_0, %arg0 : i32
    %mul3A_1 = arith.constant 25600 : i32
    %mul3A_2 = arith.muli %add3A, %mul3A_1 : i32
    %dma_start3A = arith.constant 0 : i32
    %dma_start3A_3 = tpu.memref_slice %arg3[%mul3A_2] : memref<819200xi32, #tpu.memory_space<hbm>> -> memref<25600xi32, #tpu.memory_space<hbm>>
    %dma_start3A_4 = tpu.memref_slice %arg9[%dma_start3A] : memref<4x!tpu.dma_semaphore, #tpu.memory_space<semaphore_mem>> -> memref<1x!tpu.dma_semaphore, #tpu.memory_space<semaphore_mem>>
    %dma_start3A_5 = tpu.memref_squeeze %dma_start3A_4 : memref<1x!tpu.dma_semaphore, #tpu.memory_space<semaphore_mem>> -> memref<!tpu.dma_semaphore, #tpu.memory_space<semaphore_mem>>
    %dma_start3A_6 = tpu.memref_slice %arg3[%mul3A_2] : memref<819200xi32, #tpu.memory_space<hbm>> -> memref<25600xi32, #tpu.memory_space<hbm>>
    tpu.enqueue_dma source(%dma_start3A_6 : memref<25600xi32, #tpu.memory_space<hbm>>) target(%arg6 : memref<25600xi32, #tpu.memory_space<vmem>>) target_semaphore(%dma_start3A_5 : memref<!tpu.dma_semaphore, #tpu.memory_space<semaphore_mem>>)
    %lt3A = arith.constant 15 : i32
    %lt3A_7 = arith.cmpi slt, %arg1, %lt3A : i32
    %convert_element_type3A = arith.extui %lt3A_7 : i1 to i32
    %cond3A = arith.constant 0 : i32
    %cond3A_8 = arith.cmpi ne, %convert_element_type3A, %cond3A : i32
    scf.if %cond3A_8 {
      %mul3A_518 = arith.constant 32 : i32
      %mul3A_519 = arith.muli %arg1, %mul3A_518 : i32
      %mul3A_520 = arith.constant 32 : i32
      %mul3A_521 = arith.muli %arg1, %mul3A_520 : i32
      "tpu.region"() ({
        %run_scoped3A = tpu.sem_alloc : memref<!tpu.dma_semaphore, #tpu.memory_space<semaphore_mem>>
        %dma_start3A_522 = arith.constant 0 : i32
        %dma_start3A_523 = tpu.memref_slice %arg5[%mul3A_521, %dma_start3A_522] : memref<500x128xf32, #tpu.memory_space<vmem_shared>> -> memref<32x128xf32, #tpu.memory_space<vmem_shared>>
        %dma_start3A_524 = arith.constant 0 : i32
        %dma_start3A_525 = tpu.memref_slice %arg2[%mul3A_519, %dma_start3A_524] : memref<500x128xf32, #tpu.memory_space<hbm>> -> memref<32x128xf32, #tpu.memory_space<hbm>>
        tpu.enqueue_dma source(%dma_start3A_525 : memref<32x128xf32, #tpu.memory_space<hbm>>) target(%dma_start3A_523 : memref<32x128xf32, #tpu.memory_space<vmem_shared>>) target_semaphore(%run_scoped3A : memref<!tpu.dma_semaphore, #tpu.memory_space<semaphore_mem>>)
        %dma_wait3A_526 = arith.constant 0 : i32
        %dma_wait3A_527 = tpu.memref_slice %arg5[%mul3A_521, %dma_wait3A_526] : memref<500x128xf32, #tpu.memory_space<vmem_shared>> -> memref<32x128xf32, #tpu.memory_space<vmem_shared>>
        %dma_wait3A_528 = arith.constant 0 : i32
        %dma_wait3A_529 = tpu.memref_slice %arg2[%mul3A_519, %dma_wait3A_528] : memref<500x128xf32, #tpu.memory_space<hbm>> -> memref<32x128xf32, #tpu.memory_space<hbm>>
        tpu.wait_dma2 semaphore(%run_scoped3A : memref<!tpu.dma_semaphore, #tpu.memory_space<semaphore_mem>>) src(%dma_wait3A_529 : memref<32x128xf32, #tpu.memory_space<hbm>>) dst(%dma_wait3A_527 : memref<32x128xf32, #tpu.memory_space<vmem_shared>>)
        tpu.yield
      }) : () -> ()
    } else {
    }
    %eq3A = arith.constant 15 : i32
    %eq3A_9 = arith.cmpi eq, %arg1, %eq3A : i32
    %convert_element_type3A_10 = arith.extui %eq3A_9 : i1 to i32
    %cond3A_11 = arith.constant 0 : i32
    %cond3A_12 = arith.cmpi ne, %convert_element_type3A_10, %cond3A_11 : i32
    scf.if %cond3A_12 {
      "tpu.region"() ({
        %run_scoped3A = tpu.sem_alloc : memref<!tpu.dma_semaphore, #tpu.memory_space<semaphore_mem>>
        %dma_start3A_518 = arith.constant 480 : i32
        %dma_start3A_519 = arith.constant 0 : i32
        %dma_start3A_520 = tpu.memref_slice %arg5[%dma_start3A_518, %dma_start3A_519] : memref<500x128xf32, #tpu.memory_space<vmem_shared>> -> memref<20x128xf32, #tpu.memory_space<vmem_shared>>
        %dma_start3A_521 = arith.constant 480 : i32
        %dma_start3A_522 = arith.constant 0 : i32
        %dma_start3A_523 = tpu.memref_slice %arg2[%dma_start3A_521, %dma_start3A_522] : memref<500x128xf32, #tpu.memory_space<hbm>> -> memref<20x128xf32, #tpu.memory_space<hbm>>
        tpu.enqueue_dma source(%dma_start3A_523 : memref<20x128xf32, #tpu.memory_space<hbm>>) target(%dma_start3A_520 : memref<20x128xf32, #tpu.memory_space<vmem_shared>>) target_semaphore(%run_scoped3A : memref<!tpu.dma_semaphore, #tpu.memory_space<semaphore_mem>>)
        %dma_wait3A_524 = arith.constant 480 : i32
        %dma_wait3A_525 = arith.constant 0 : i32
        %dma_wait3A_526 = tpu.memref_slice %arg5[%dma_wait3A_524, %dma_wait3A_525] : memref<500x128xf32, #tpu.memory_space<vmem_shared>> -> memref<20x128xf32, #tpu.memory_space<vmem_shared>>
        %dma_wait3A_527 = arith.constant 480 : i32
        %dma_wait3A_528 = arith.constant 0 : i32
        %dma_wait3A_529 = tpu.memref_slice %arg2[%dma_wait3A_527, %dma_wait3A_528] : memref<500x128xf32, #tpu.memory_space<hbm>> -> memref<20x128xf32, #tpu.memory_space<hbm>>
        tpu.wait_dma2 semaphore(%run_scoped3A : memref<!tpu.dma_semaphore, #tpu.memory_space<semaphore_mem>>) src(%dma_wait3A_529 : memref<20x128xf32, #tpu.memory_space<hbm>>) dst(%dma_wait3A_526 : memref<20x128xf32, #tpu.memory_space<vmem_shared>>)
        tpu.yield
      }) : () -> ()
    } else {
    }
    %dma_wait3A = arith.constant 0 : i32
    %dma_wait3A_13 = tpu.memref_slice %arg3[%mul3A_2] : memref<819200xi32, #tpu.memory_space<hbm>> -> memref<25600xi32, #tpu.memory_space<hbm>>
    %dma_wait3A_14 = tpu.memref_slice %arg9[%dma_wait3A] : memref<4x!tpu.dma_semaphore, #tpu.memory_space<semaphore_mem>> -> memref<1x!tpu.dma_semaphore, #tpu.memory_space<semaphore_mem>>
    %dma_wait3A_15 = tpu.memref_squeeze %dma_wait3A_14 : memref<1x!tpu.dma_semaphore, #tpu.memory_space<semaphore_mem>> -> memref<!tpu.dma_semaphore, #tpu.memory_space<semaphore_mem>>
    %dma_wait3A_16 = tpu.memref_slice %arg3[%mul3A_2] : memref<819200xi32, #tpu.memory_space<hbm>> -> memref<25600xi32, #tpu.memory_space<hbm>>
    tpu.wait_dma2 semaphore(%dma_wait3A_15 : memref<!tpu.dma_semaphore, #tpu.memory_space<semaphore_mem>>) src(%dma_wait3A_16 : memref<25600xi32, #tpu.memory_space<hbm>>) dst(%arg6 : memref<25600xi32, #tpu.memory_space<vmem>>)
    %barrier3A = arith.constant 0 : index
    tpu.barrier barrier_id(%barrier3A)
    %dma_start3A_17 = arith.constant 0 : i32
    %dma_start3A_18 = arith.constant 0 : i32
    %dma_start3A_19 = arith.constant 0 : i32
    %dma_start3A_20 = arith.constant 0 : i32
    %dma_start3A_21 = tpu.memref_slice %arg7[%dma_start3A_17, %dma_start3A_19, %dma_start3A_20] : memref<4x128x128xf32, #tpu.memory_space<vmem>> -> memref<1x128x128xf32, #tpu.memory_space<vmem>>
    %dma_start3A_22 = tpu.memref_squeeze %dma_start3A_21 : memref<1x128x128xf32, #tpu.memory_space<vmem>> -> memref<128x128xf32, #tpu.memory_space<vmem>>
    %dma_start3A_23 = arith.constant 0 : i32
    %dma_start3A_24 = tpu.memref_slice %arg6[%dma_start3A_23] : memref<25600xi32, #tpu.memory_space<vmem>> -> memref<128xi32, #tpu.memory_space<vmem>>
    %dma_start3A_25 = arith.constant 0 : i32
    %dma_start3A_26 = arith.constant 0 : i32
    %dma_start3A_27 = tpu.memref_slice %arg5[%dma_start3A_25, %dma_start3A_26] : memref<500x128xf32, #tpu.memory_space<vmem_shared>> -> memref<500x128xf32, #tpu.memory_space<vmem_shared>>
    %dma_start3A_28 = tpu.memref_slice %arg8[%dma_start3A_18] : memref<4x!tpu.dma_semaphore, #tpu.memory_space<semaphore_mem>> -> memref<1x!tpu.dma_semaphore, #tpu.memory_space<semaphore_mem>>
    %dma_start3A_29 = tpu.memref_squeeze %dma_start3A_28 : memref<1x!tpu.dma_semaphore, #tpu.memory_space<semaphore_mem>> -> memref<!tpu.dma_semaphore, #tpu.memory_space<semaphore_mem>>
    tpu.enqueue_indirect_dma source(%dma_start3A_27 : memref<500x128xf32, #tpu.memory_space<vmem_shared>>) target(%dma_start3A_22 : memref<128x128xf32, #tpu.memory_space<vmem>>) offsets(%dma_start3A_24 : memref<128xi32, #tpu.memory_space<vmem>>) semaphore(%dma_start3A_29 : memref<!tpu.dma_semaphore, #tpu.memory_space<semaphore_mem>>)
    %dma_start3A_30 = arith.constant 1 : i32
    %dma_start3A_31 = arith.constant 1 : i32
    %dma_start3A_32 = arith.constant 0 : i32
    %dma_start3A_33 = arith.constant 0 : i32
    %dma_start3A_34 = tpu.memref_slice %arg7[%dma_start3A_30, %dma_start3A_32, %dma_start3A_33] : memref<4x128x128xf32, #tpu.memory_space<vmem>> -> memref<1x128x128xf32, #tpu.memory_space<vmem>>
    %dma_start3A_35 = tpu.memref_squeeze %dma_start3A_34 : memref<1x128x128xf32, #tpu.memory_space<vmem>> -> memref<128x128xf32, #tpu.memory_space<vmem>>
    %dma_start3A_36 = arith.constant 128 : i32
    %dma_start3A_37 = tpu.memref_slice %arg6[%dma_start3A_36] : memref<25600xi32, #tpu.memory_space<vmem>> -> memref<128xi32, #tpu.memory_space<vmem>>
    %dma_start3A_38 = arith.constant 0 : i32
    %dma_start3A_39 = arith.constant 0 : i32
    %dma_start3A_40 = tpu.memref_slice %arg5[%dma_start3A_38, %dma_start3A_39] : memref<500x128xf32, #tpu.memory_space<vmem_shared>> -> memref<500x128xf32, #tpu.memory_space<vmem_shared>>
    %dma_start3A_41 = tpu.memref_slice %arg8[%dma_start3A_31] : memref<4x!tpu.dma_semaphore, #tpu.memory_space<semaphore_mem>> -> memref<1x!tpu.dma_semaphore, #tpu.memory_space<semaphore_mem>>
    %dma_start3A_42 = tpu.memref_squeeze %dma_start3A_41 : memref<1x!tpu.dma_semaphore, #tpu.memory_space<semaphore_mem>> -> memref<!tpu.dma_semaphore, #tpu.memory_space<semaphore_mem>>
    tpu.enqueue_indirect_dma source(%dma_start3A_40 : memref<500x128xf32, #tpu.memory_space<vmem_shared>>) target(%dma_start3A_35 : memref<128x128xf32, #tpu.memory_space<vmem>>) offsets(%dma_start3A_37 : memref<128xi32, #tpu.memory_space<vmem>>) semaphore(%dma_start3A_42 : memref<!tpu.dma_semaphore, #tpu.memory_space<semaphore_mem>>)
    %dma_start3A_43 = arith.constant 2 : i32
    %dma_start3A_44 = arith.constant 2 : i32
    %dma_start3A_45 = arith.constant 0 : i32
    %dma_start3A_46 = arith.constant 0 : i32
    %dma_start3A_47 = tpu.memref_slice %arg7[%dma_start3A_43, %dma_start3A_45, %dma_start3A_46] : memref<4x128x128xf32, #tpu.memory_space<vmem>> -> memref<1x128x128xf32, #tpu.memory_space<vmem>>
    %dma_start3A_48 = tpu.memref_squeeze %dma_start3A_47 : memref<1x128x128xf32, #tpu.memory_space<vmem>> -> memref<128x128xf32, #tpu.memory_space<vmem>>
    %dma_start3A_49 = arith.constant 256 : i32
    %dma_start3A_50 = tpu.memref_slice %arg6[%dma_start3A_49] : memref<25600xi32, #tpu.memory_space<vmem>> -> memref<128xi32, #tpu.memory_space<vmem>>
    %dma_start3A_51 = arith.constant 0 : i32
    %dma_start3A_52 = arith.constant 0 : i32
    %dma_start3A_53 = tpu.memref_slice %arg5[%dma_start3A_51, %dma_start3A_52] : memref<500x128xf32, #tpu.memory_space<vmem_shared>> -> memref<500x128xf32, #tpu.memory_space<vmem_shared>>
    %dma_start3A_54 = tpu.memref_slice %arg8[%dma_start3A_44] : memref<4x!tpu.dma_semaphore, #tpu.memory_space<semaphore_mem>> -> memref<1x!tpu.dma_semaphore, #tpu.memory_space<semaphore_mem>>
    %dma_start3A_55 = tpu.memref_squeeze %dma_start3A_54 : memref<1x!tpu.dma_semaphore, #tpu.memory_space<semaphore_mem>> -> memref<!tpu.dma_semaphore, #tpu.memory_space<semaphore_mem>>
    tpu.enqueue_indirect_dma source(%dma_start3A_53 : memref<500x128xf32, #tpu.memory_space<vmem_shared>>) target(%dma_start3A_48 : memref<128x128xf32, #tpu.memory_space<vmem>>) offsets(%dma_start3A_50 : memref<128xi32, #tpu.memory_space<vmem>>) semaphore(%dma_start3A_55 : memref<!tpu.dma_semaphore, #tpu.memory_space<semaphore_mem>>)
    %dma_wait3A_56 = arith.constant 0 : i32
    %dma_wait3A_57 = arith.constant 0 : i32
    %dma_wait3A_58 = arith.constant 0 : i32
    %dma_wait3A_59 = arith.constant 0 : i32
    %dma_wait3A_60 = tpu.memref_slice %arg7[%dma_wait3A_56, %dma_wait3A_58, %dma_wait3A_59] : memref<4x128x128xf32, #tpu.memory_space<vmem>> -> memref<1x128x128xf32, #tpu.memory_space<vmem>>
    %dma_wait3A_61 = tpu.memref_squeeze %dma_wait3A_60 : memref<1x128x128xf32, #tpu.memory_space<vmem>> -> memref<128x128xf32, #tpu.memory_space<vmem>>
    %dma_wait3A_62 = arith.constant 0 : i32
    %dma_wait3A_63 = tpu.memref_slice %arg6[%dma_wait3A_62] : memref<25600xi32, #tpu.memory_space<vmem>> -> memref<128xi32, #tpu.memory_space<vmem>>
    %dma_wait3A_64 = arith.constant 0 : i32
    %dma_wait3A_65 = arith.constant 0 : i32
    %dma_wait3A_66 = tpu.memref_slice %arg5[%dma_wait3A_64, %dma_wait3A_65] : memref<500x128xf32, #tpu.memory_space<vmem_shared>> -> memref<500x128xf32, #tpu.memory_space<vmem_shared>>
    %dma_wait3A_67 = tpu.memref_slice %arg8[%dma_wait3A_57] : memref<4x!tpu.dma_semaphore, #tpu.memory_space<semaphore_mem>> -> memref<1x!tpu.dma_semaphore, #tpu.memory_space<semaphore_mem>>
    %dma_wait3A_68 = tpu.memref_squeeze %dma_wait3A_67 : memref<1x!tpu.dma_semaphore, #tpu.memory_space<semaphore_mem>> -> memref<!tpu.dma_semaphore, #tpu.memory_space<semaphore_mem>>
    tpu.wait_indirect_dma semaphore(%dma_wait3A_68 : memref<!tpu.dma_semaphore, #tpu.memory_space<semaphore_mem>>) src(%dma_wait3A_66 : memref<500x128xf32, #tpu.memory_space<vmem_shared>>) dst(%dma_wait3A_61 : memref<128x128xf32, #tpu.memory_space<vmem>>)
    %add3A_69 = arith.constant 0 : i32
    %add3A_70 = arith.addi %mul3A_2, %add3A_69 : i32
    %dma_start3A_71 = arith.constant 0 : i32
    %dma_start3A_72 = arith.constant 0 : i32
    %dma_start3A_73 = arith.constant 0 : i32
    %dma_start3A_74 = arith.constant 0 : i32
    %dma_start3A_75 = tpu.memref_slice %arg7[%dma_start3A_71, %dma_start3A_73, %dma_start3A_74] : memref<4x128x128xf32, #tpu.memory_space<vmem>> -> memref<1x128x128xf32, #tpu.memory_space<vmem>>
    %dma_start3A_76 = tpu.memref_squeeze %dma_start3A_75 : memref<1x128x128xf32, #tpu.memory_space<vmem>> -> memref<128x128xf32, #tpu.memory_space<vmem>>
    %dma_start3A_77 = arith.constant 0 : i32
    %dma_start3A_78 = tpu.memref_slice %arg4[%add3A_70, %dma_start3A_77] : memref<819200x128xf32, #tpu.memory_space<hbm>> -> memref<128x128xf32, #tpu.memory_space<hbm>>
    %dma_start3A_79 = tpu.memref_slice %arg9[%dma_start3A_72] : memref<4x!tpu.dma_semaphore, #tpu.memory_space<semaphore_mem>> -> memref<1x!tpu.dma_semaphore, #tpu.memory_space<semaphore_mem>>
    %dma_start3A_80 = tpu.memref_squeeze %dma_start3A_79 : memref<1x!tpu.dma_semaphore, #tpu.memory_space<semaphore_mem>> -> memref<!tpu.dma_semaphore, #tpu.memory_space<semaphore_mem>>
    %dma_start3A_81 = arith.constant 0 : i32
    %dma_start3A_82 = tpu.memref_slice %arg4[%add3A_70, %dma_start3A_81] : memref<819200x128xf32, #tpu.memory_space<hbm>> -> memref<128x128xf32, #tpu.memory_space<hbm>>
    %dma_start3A_83 = arith.constant 0 : i32
    %dma_start3A_84 = arith.constant 0 : i32
    %dma_start3A_85 = tpu.memref_slice %arg7[%dma_start3A_71, %dma_start3A_83, %dma_start3A_84] : memref<4x128x128xf32, #tpu.memory_space<vmem>> -> memref<1x128x128xf32, #tpu.memory_space<vmem>>
    %dma_start3A_86 = tpu.memref_squeeze %dma_start3A_85 : memref<1x128x128xf32, #tpu.memory_space<vmem>> -> memref<128x128xf32, #tpu.memory_space<vmem>>
    tpu.enqueue_dma source(%dma_start3A_86 : memref<128x128xf32, #tpu.memory_space<vmem>>) target(%dma_start3A_82 : memref<128x128xf32, #tpu.memory_space<hbm>>) target_semaphore(%dma_start3A_80 : memref<!tpu.dma_semaphore, #tpu.memory_space<semaphore_mem>>)
    %dma_start3A_87 = arith.constant 3 : i32
    %dma_start3A_88 = arith.constant 3 : i32
    %dma_start3A_89 = arith.constant 0 : i32
    %dma_start3A_90 = arith.constant 0 : i32
    %dma_start3A_91 = tpu.memref_slice %arg7[%dma_start3A_87, %dma_start3A_89, %dma_start3A_90] : memref<4x128x128xf32, #tpu.memory_space<vmem>> -> memref<1x128x128xf32, #tpu.memory_space<vmem>>
    %dma_start3A_92 = tpu.memref_squeeze %dma_start3A_91 : memref<1x128x128xf32, #tpu.memory_space<vmem>> -> memref<128x128xf32, #tpu.memory_space<vmem>>
    %dma_start3A_93 = arith.constant 384 : i32
    %dma_start3A_94 = tpu.memref_slice %arg6[%dma_start3A_93] : memref<25600xi32, #tpu.memory_space<vmem>> -> memref<128xi32, #tpu.memory_space<vmem>>
    %dma_start3A_95 = arith.constant 0 : i32
    %dma_start3A_96 = arith.constant 0 : i32
    %dma_start3A_97 = tpu.memref_slice %arg5[%dma_start3A_95, %dma_start3A_96] : memref<500x128xf32, #tpu.memory_space<vmem_shared>> -> memref<500x128xf32, #tpu.memory_space<vmem_shared>>
    %dma_start3A_98 = tpu.memref_slice %arg8[%dma_start3A_88] : memref<4x!tpu.dma_semaphore, #tpu.memory_space<semaphore_mem>> -> memref<1x!tpu.dma_semaphore, #tpu.memory_space<semaphore_mem>>
    %dma_start3A_99 = tpu.memref_squeeze %dma_start3A_98 : memref<1x!tpu.dma_semaphore, #tpu.memory_space<semaphore_mem>> -> memref<!tpu.dma_semaphore, #tpu.memory_space<semaphore_mem>>
    tpu.enqueue_indirect_dma source(%dma_start3A_97 : memref<500x128xf32, #tpu.memory_space<vmem_shared>>) target(%dma_start3A_92 : memref<128x128xf32, #tpu.memory_space<vmem>>) offsets(%dma_start3A_94 : memref<128xi32, #tpu.memory_space<vmem>>) semaphore(%dma_start3A_99 : memref<!tpu.dma_semaphore, #tpu.memory_space<semaphore_mem>>)
    %dma_wait3A_100 = arith.constant 1 : i32
    %dma_wait3A_101 = arith.constant 1 : i32
    %dma_wait3A_102 = arith.constant 0 : i32
    %dma_wait3A_103 = arith.constant 0 : i32
    %dma_wait3A_104 = tpu.memref_slice %arg7[%dma_wait3A_100, %dma_wait3A_102, %dma_wait3A_103] : memref<4x128x128xf32, #tpu.memory_space<vmem>> -> memref<1x128x128xf32, #tpu.memory_space<vmem>>
    %dma_wait3A_105 = tpu.memref_squeeze %dma_wait3A_104 : memref<1x128x128xf32, #tpu.memory_space<vmem>> -> memref<128x128xf32, #tpu.memory_space<vmem>>
    %dma_wait3A_106 = arith.constant 128 : i32
    %dma_wait3A_107 = tpu.memref_slice %arg6[%dma_wait3A_106] : memref<25600xi32, #tpu.memory_space<vmem>> -> memref<128xi32, #tpu.memory_space<vmem>>
    %dma_wait3A_108 = arith.constant 0 : i32
    %dma_wait3A_109 = arith.constant 0 : i32
    %dma_wait3A_110 = tpu.memref_slice %arg5[%dma_wait3A_108, %dma_wait3A_109] : memref<500x128xf32, #tpu.memory_space<vmem_shared>> -> memref<500x128xf32, #tpu.memory_space<vmem_shared>>
    %dma_wait3A_111 = tpu.memref_slice %arg8[%dma_wait3A_101] : memref<4x!tpu.dma_semaphore, #tpu.memory_space<semaphore_mem>> -> memref<1x!tpu.dma_semaphore, #tpu.memory_space<semaphore_mem>>
    %dma_wait3A_112 = tpu.memref_squeeze %dma_wait3A_111 : memref<1x!tpu.dma_semaphore, #tpu.memory_space<semaphore_mem>> -> memref<!tpu.dma_semaphore, #tpu.memory_space<semaphore_mem>>
    tpu.wait_indirect_dma semaphore(%dma_wait3A_112 : memref<!tpu.dma_semaphore, #tpu.memory_space<semaphore_mem>>) src(%dma_wait3A_110 : memref<500x128xf32, #tpu.memory_space<vmem_shared>>) dst(%dma_wait3A_105 : memref<128x128xf32, #tpu.memory_space<vmem>>)
    %add3A_113 = arith.constant 128 : i32
    %add3A_114 = arith.addi %mul3A_2, %add3A_113 : i32
    %dma_start3A_115 = arith.constant 1 : i32
    %dma_start3A_116 = arith.constant 1 : i32
    %dma_start3A_117 = arith.constant 0 : i32
    %dma_start3A_118 = arith.constant 0 : i32
    %dma_start3A_119 = tpu.memref_slice %arg7[%dma_start3A_115, %dma_start3A_117, %dma_start3A_118] : memref<4x128x128xf32, #tpu.memory_space<vmem>> -> memref<1x128x128xf32, #tpu.memory_space<vmem>>
    %dma_start3A_120 = tpu.memref_squeeze %dma_start3A_119 : memref<1x128x128xf32, #tpu.memory_space<vmem>> -> memref<128x128xf32, #tpu.memory_space<vmem>>
    %dma_start3A_121 = arith.constant 0 : i32
    %dma_start3A_122 = tpu.memref_slice %arg4[%add3A_114, %dma_start3A_121] : memref<819200x128xf32, #tpu.memory_space<hbm>> -> memref<128x128xf32, #tpu.memory_space<hbm>>
    %dma_start3A_123 = tpu.memref_slice %arg9[%dma_start3A_116] : memref<4x!tpu.dma_semaphore, #tpu.memory_space<semaphore_mem>> -> memref<1x!tpu.dma_semaphore, #tpu.memory_space<semaphore_mem>>
    %dma_start3A_124 = tpu.memref_squeeze %dma_start3A_123 : memref<1x!tpu.dma_semaphore, #tpu.memory_space<semaphore_mem>> -> memref<!tpu.dma_semaphore, #tpu.memory_space<semaphore_mem>>
    %dma_start3A_125 = arith.constant 0 : i32
    %dma_start3A_126 = tpu.memref_slice %arg4[%add3A_114, %dma_start3A_125] : memref<819200x128xf32, #tpu.memory_space<hbm>> -> memref<128x128xf32, #tpu.memory_space<hbm>>
    %dma_start3A_127 = arith.constant 0 : i32
    %dma_start3A_128 = arith.constant 0 : i32
    %dma_start3A_129 = tpu.memref_slice %arg7[%dma_start3A_115, %dma_start3A_127, %dma_start3A_128] : memref<4x128x128xf32, #tpu.memory_space<vmem>> -> memref<1x128x128xf32, #tpu.memory_space<vmem>>
    %dma_start3A_130 = tpu.memref_squeeze %dma_start3A_129 : memref<1x128x128xf32, #tpu.memory_space<vmem>> -> memref<128x128xf32, #tpu.memory_space<vmem>>
    tpu.enqueue_dma source(%dma_start3A_130 : memref<128x128xf32, #tpu.memory_space<vmem>>) target(%dma_start3A_126 : memref<128x128xf32, #tpu.memory_space<hbm>>) target_semaphore(%dma_start3A_124 : memref<!tpu.dma_semaphore, #tpu.memory_space<semaphore_mem>>)
    %add3A_131 = arith.constant 0 : i32
    %add3A_132 = arith.addi %mul3A_2, %add3A_131 : i32
    %dma_wait3A_133 = arith.constant 0 : i32
    %dma_wait3A_134 = arith.constant 0 : i32
    %dma_wait3A_135 = arith.constant 0 : i32
    %dma_wait3A_136 = arith.constant 0 : i32
    %dma_wait3A_137 = tpu.memref_slice %arg7[%dma_wait3A_133, %dma_wait3A_135, %dma_wait3A_136] : memref<4x128x128xf32, #tpu.memory_space<vmem>> -> memref<1x128x128xf32, #tpu.memory_space<vmem>>
    %dma_wait3A_138 = tpu.memref_squeeze %dma_wait3A_137 : memref<1x128x128xf32, #tpu.memory_space<vmem>> -> memref<128x128xf32, #tpu.memory_space<vmem>>
    %dma_wait3A_139 = arith.constant 0 : i32
    %dma_wait3A_140 = tpu.memref_slice %arg4[%add3A_132, %dma_wait3A_139] : memref<819200x128xf32, #tpu.memory_space<hbm>> -> memref<128x128xf32, #tpu.memory_space<hbm>>
    %dma_wait3A_141 = tpu.memref_slice %arg9[%dma_wait3A_134] : memref<4x!tpu.dma_semaphore, #tpu.memory_space<semaphore_mem>> -> memref<1x!tpu.dma_semaphore, #tpu.memory_space<semaphore_mem>>
    %dma_wait3A_142 = tpu.memref_squeeze %dma_wait3A_141 : memref<1x!tpu.dma_semaphore, #tpu.memory_space<semaphore_mem>> -> memref<!tpu.dma_semaphore, #tpu.memory_space<semaphore_mem>>
    %dma_wait3A_143 = arith.constant 0 : i32
    %dma_wait3A_144 = tpu.memref_slice %arg4[%add3A_132, %dma_wait3A_143] : memref<819200x128xf32, #tpu.memory_space<hbm>> -> memref<128x128xf32, #tpu.memory_space<hbm>>
    %dma_wait3A_145 = arith.constant 0 : i32
    %dma_wait3A_146 = arith.constant 0 : i32
    %dma_wait3A_147 = tpu.memref_slice %arg7[%dma_wait3A_133, %dma_wait3A_145, %dma_wait3A_146] : memref<4x128x128xf32, #tpu.memory_space<vmem>> -> memref<1x128x128xf32, #tpu.memory_space<vmem>>
    %dma_wait3A_148 = tpu.memref_squeeze %dma_wait3A_147 : memref<1x128x128xf32, #tpu.memory_space<vmem>> -> memref<128x128xf32, #tpu.memory_space<vmem>>
    tpu.wait_dma2 semaphore(%dma_wait3A_142 : memref<!tpu.dma_semaphore, #tpu.memory_space<semaphore_mem>>) src(%dma_wait3A_148 : memref<128x128xf32, #tpu.memory_space<vmem>>) dst(%dma_wait3A_144 : memref<128x128xf32, #tpu.memory_space<hbm>>)
    %dma_start3A_149 = arith.constant 0 : i32
    %dma_start3A_150 = arith.constant 0 : i32
    %dma_start3A_151 = arith.constant 0 : i32
    %dma_start3A_152 = arith.constant 0 : i32
    %dma_start3A_153 = tpu.memref_slice %arg7[%dma_start3A_149, %dma_start3A_151, %dma_start3A_152] : memref<4x128x128xf32, #tpu.memory_space<vmem>> -> memref<1x128x128xf32, #tpu.memory_space<vmem>>
    %dma_start3A_154 = tpu.memref_squeeze %dma_start3A_153 : memref<1x128x128xf32, #tpu.memory_space<vmem>> -> memref<128x128xf32, #tpu.memory_space<vmem>>
    %dma_start3A_155 = arith.constant 512 : i32
    %dma_start3A_156 = tpu.memref_slice %arg6[%dma_start3A_155] : memref<25600xi32, #tpu.memory_space<vmem>> -> memref<128xi32, #tpu.memory_space<vmem>>
    %dma_start3A_157 = arith.constant 0 : i32
    %dma_start3A_158 = arith.constant 0 : i32
    %dma_start3A_159 = tpu.memref_slice %arg5[%dma_start3A_157, %dma_start3A_158] : memref<500x128xf32, #tpu.memory_space<vmem_shared>> -> memref<500x128xf32, #tpu.memory_space<vmem_shared>>
    %dma_start3A_160 = tpu.memref_slice %arg8[%dma_start3A_150] : memref<4x!tpu.dma_semaphore, #tpu.memory_space<semaphore_mem>> -> memref<1x!tpu.dma_semaphore, #tpu.memory_space<semaphore_mem>>
    %dma_start3A_161 = tpu.memref_squeeze %dma_start3A_160 : memref<1x!tpu.dma_semaphore, #tpu.memory_space<semaphore_mem>> -> memref<!tpu.dma_semaphore, #tpu.memory_space<semaphore_mem>>
    tpu.enqueue_indirect_dma source(%dma_start3A_159 : memref<500x128xf32, #tpu.memory_space<vmem_shared>>) target(%dma_start3A_154 : memref<128x128xf32, #tpu.memory_space<vmem>>) offsets(%dma_start3A_156 : memref<128xi32, #tpu.memory_space<vmem>>) semaphore(%dma_start3A_161 : memref<!tpu.dma_semaphore, #tpu.memory_space<semaphore_mem>>)
    %dma_wait3A_162 = arith.constant 2 : i32
    %dma_wait3A_163 = arith.constant 2 : i32
    %dma_wait3A_164 = arith.constant 0 : i32
    %dma_wait3A_165 = arith.constant 0 : i32
    %dma_wait3A_166 = tpu.memref_slice %arg7[%dma_wait3A_162, %dma_wait3A_164, %dma_wait3A_165] : memref<4x128x128xf32, #tpu.memory_space<vmem>> -> memref<1x128x128xf32, #tpu.memory_space<vmem>>
    %dma_wait3A_167 = tpu.memref_squeeze %dma_wait3A_166 : memref<1x128x128xf32, #tpu.memory_space<vmem>> -> memref<128x128xf32, #tpu.memory_space<vmem>>
    %dma_wait3A_168 = arith.constant 256 : i32
    %dma_wait3A_169 = tpu.memref_slice %arg6[%dma_wait3A_168] : memref<25600xi32, #tpu.memory_space<vmem>> -> memref<128xi32, #tpu.memory_space<vmem>>
    %dma_wait3A_170 = arith.constant 0 : i32
    %dma_wait3A_171 = arith.constant 0 : i32
    %dma_wait3A_172 = tpu.memref_slice %arg5[%dma_wait3A_170, %dma_wait3A_171] : memref<500x128xf32, #tpu.memory_space<vmem_shared>> -> memref<500x128xf32, #tpu.memory_space<vmem_shared>>
    %dma_wait3A_173 = tpu.memref_slice %arg8[%dma_wait3A_163] : memref<4x!tpu.dma_semaphore, #tpu.memory_space<semaphore_mem>> -> memref<1x!tpu.dma_semaphore, #tpu.memory_space<semaphore_mem>>
    %dma_wait3A_174 = tpu.memref_squeeze %dma_wait3A_173 : memref<1x!tpu.dma_semaphore, #tpu.memory_space<semaphore_mem>> -> memref<!tpu.dma_semaphore, #tpu.memory_space<semaphore_mem>>
    tpu.wait_indirect_dma semaphore(%dma_wait3A_174 : memref<!tpu.dma_semaphore, #tpu.memory_space<semaphore_mem>>) src(%dma_wait3A_172 : memref<500x128xf32, #tpu.memory_space<vmem_shared>>) dst(%dma_wait3A_167 : memref<128x128xf32, #tpu.memory_space<vmem>>)
    %add3A_175 = arith.constant 256 : i32
    %add3A_176 = arith.addi %mul3A_2, %add3A_175 : i32
    %dma_start3A_177 = arith.constant 2 : i32
    %dma_start3A_178 = arith.constant 2 : i32
    %dma_start3A_179 = arith.constant 0 : i32
    %dma_start3A_180 = arith.constant 0 : i32
    %dma_start3A_181 = tpu.memref_slice %arg7[%dma_start3A_177, %dma_start3A_179, %dma_start3A_180] : memref<4x128x128xf32, #tpu.memory_space<vmem>> -> memref<1x128x128xf32, #tpu.memory_space<vmem>>
    %dma_start3A_182 = tpu.memref_squeeze %dma_start3A_181 : memref<1x128x128xf32, #tpu.memory_space<vmem>> -> memref<128x128xf32, #tpu.memory_space<vmem>>
    %dma_start3A_183 = arith.constant 0 : i32
    %dma_start3A_184 = tpu.memref_slice %arg4[%add3A_176, %dma_start3A_183] : memref<819200x128xf32, #tpu.memory_space<hbm>> -> memref<128x128xf32, #tpu.memory_space<hbm>>
    %dma_start3A_185 = tpu.memref_slice %arg9[%dma_start3A_178] : memref<4x!tpu.dma_semaphore, #tpu.memory_space<semaphore_mem>> -> memref<1x!tpu.dma_semaphore, #tpu.memory_space<semaphore_mem>>
    %dma_start3A_186 = tpu.memref_squeeze %dma_start3A_185 : memref<1x!tpu.dma_semaphore, #tpu.memory_space<semaphore_mem>> -> memref<!tpu.dma_semaphore, #tpu.memory_space<semaphore_mem>>
    %dma_start3A_187 = arith.constant 0 : i32
    %dma_start3A_188 = tpu.memref_slice %arg4[%add3A_176, %dma_start3A_187] : memref<819200x128xf32, #tpu.memory_space<hbm>> -> memref<128x128xf32, #tpu.memory_space<hbm>>
    %dma_start3A_189 = arith.constant 0 : i32
    %dma_start3A_190 = arith.constant 0 : i32
    %dma_start3A_191 = tpu.memref_slice %arg7[%dma_start3A_177, %dma_start3A_189, %dma_start3A_190] : memref<4x128x128xf32, #tpu.memory_space<vmem>> -> memref<1x128x128xf32, #tpu.memory_space<vmem>>
    %dma_start3A_192 = tpu.memref_squeeze %dma_start3A_191 : memref<1x128x128xf32, #tpu.memory_space<vmem>> -> memref<128x128xf32, #tpu.memory_space<vmem>>
    tpu.enqueue_dma source(%dma_start3A_192 : memref<128x128xf32, #tpu.memory_space<vmem>>) target(%dma_start3A_188 : memref<128x128xf32, #tpu.memory_space<hbm>>) target_semaphore(%dma_start3A_186 : memref<!tpu.dma_semaphore, #tpu.memory_space<semaphore_mem>>)
    %add3A_193 = arith.constant 128 : i32
    %add3A_194 = arith.addi %mul3A_2, %add3A_193 : i32
    %dma_wait3A_195 = arith.constant 1 : i32
    %dma_wait3A_196 = arith.constant 1 : i32
    %dma_wait3A_197 = arith.constant 0 : i32
    %dma_wait3A_198 = arith.constant 0 : i32
    %dma_wait3A_199 = tpu.memref_slice %arg7[%dma_wait3A_195, %dma_wait3A_197, %dma_wait3A_198] : memref<4x128x128xf32, #tpu.memory_space<vmem>> -> memref<1x128x128xf32, #tpu.memory_space<vmem>>
    %dma_wait3A_200 = tpu.memref_squeeze %dma_wait3A_199 : memref<1x128x128xf32, #tpu.memory_space<vmem>> -> memref<128x128xf32, #tpu.memory_space<vmem>>
    %dma_wait3A_201 = arith.constant 0 : i32
    %dma_wait3A_202 = tpu.memref_slice %arg4[%add3A_194, %dma_wait3A_201] : memref<819200x128xf32, #tpu.memory_space<hbm>> -> memref<128x128xf32, #tpu.memory_space<hbm>>
    %dma_wait3A_203 = tpu.memref_slice %arg9[%dma_wait3A_196] : memref<4x!tpu.dma_semaphore, #tpu.memory_space<semaphore_mem>> -> memref<1x!tpu.dma_semaphore, #tpu.memory_space<semaphore_mem>>
    %dma_wait3A_204 = tpu.memref_squeeze %dma_wait3A_203 : memref<1x!tpu.dma_semaphore, #tpu.memory_space<semaphore_mem>> -> memref<!tpu.dma_semaphore, #tpu.memory_space<semaphore_mem>>
    %dma_wait3A_205 = arith.constant 0 : i32
    %dma_wait3A_206 = tpu.memref_slice %arg4[%add3A_194, %dma_wait3A_205] : memref<819200x128xf32, #tpu.memory_space<hbm>> -> memref<128x128xf32, #tpu.memory_space<hbm>>
    %dma_wait3A_207 = arith.constant 0 : i32
    %dma_wait3A_208 = arith.constant 0 : i32
    %dma_wait3A_209 = tpu.memref_slice %arg7[%dma_wait3A_195, %dma_wait3A_207, %dma_wait3A_208] : memref<4x128x128xf32, #tpu.memory_space<vmem>> -> memref<1x128x128xf32, #tpu.memory_space<vmem>>
    %dma_wait3A_210 = tpu.memref_squeeze %dma_wait3A_209 : memref<1x128x128xf32, #tpu.memory_space<vmem>> -> memref<128x128xf32, #tpu.memory_space<vmem>>
    tpu.wait_dma2 semaphore(%dma_wait3A_204 : memref<!tpu.dma_semaphore, #tpu.memory_space<semaphore_mem>>) src(%dma_wait3A_210 : memref<128x128xf32, #tpu.memory_space<vmem>>) dst(%dma_wait3A_206 : memref<128x128xf32, #tpu.memory_space<hbm>>)
    %dma_start3A_211 = arith.constant 1 : i32
    %dma_start3A_212 = arith.constant 1 : i32
    %dma_start3A_213 = arith.constant 0 : i32
    %dma_start3A_214 = arith.constant 0 : i32
    %dma_start3A_215 = tpu.memref_slice %arg7[%dma_start3A_211, %dma_start3A_213, %dma_start3A_214] : memref<4x128x128xf32, #tpu.memory_space<vmem>> -> memref<1x128x128xf32, #tpu.memory_space<vmem>>
    %dma_start3A_216 = tpu.memref_squeeze %dma_start3A_215 : memref<1x128x128xf32, #tpu.memory_space<vmem>> -> memref<128x128xf32, #tpu.memory_space<vmem>>
    %dma_start3A_217 = arith.constant 640 : i32
    %dma_start3A_218 = tpu.memref_slice %arg6[%dma_start3A_217] : memref<25600xi32, #tpu.memory_space<vmem>> -> memref<128xi32, #tpu.memory_space<vmem>>
    %dma_start3A_219 = arith.constant 0 : i32
    %dma_start3A_220 = arith.constant 0 : i32
    %dma_start3A_221 = tpu.memref_slice %arg5[%dma_start3A_219, %dma_start3A_220] : memref<500x128xf32, #tpu.memory_space<vmem_shared>> -> memref<500x128xf32, #tpu.memory_space<vmem_shared>>
    %dma_start3A_222 = tpu.memref_slice %arg8[%dma_start3A_212] : memref<4x!tpu.dma_semaphore, #tpu.memory_space<semaphore_mem>> -> memref<1x!tpu.dma_semaphore, #tpu.memory_space<semaphore_mem>>
    %dma_start3A_223 = tpu.memref_squeeze %dma_start3A_222 : memref<1x!tpu.dma_semaphore, #tpu.memory_space<semaphore_mem>> -> memref<!tpu.dma_semaphore, #tpu.memory_space<semaphore_mem>>
    tpu.enqueue_indirect_dma source(%dma_start3A_221 : memref<500x128xf32, #tpu.memory_space<vmem_shared>>) target(%dma_start3A_216 : memref<128x128xf32, #tpu.memory_space<vmem>>) offsets(%dma_start3A_218 : memref<128xi32, #tpu.memory_space<vmem>>) semaphore(%dma_start3A_223 : memref<!tpu.dma_semaphore, #tpu.memory_space<semaphore_mem>>)
    %dma_wait3A_224 = arith.constant 3 : i32
    %dma_wait3A_225 = arith.constant 3 : i32
    %dma_wait3A_226 = arith.constant 0 : i32
    %dma_wait3A_227 = arith.constant 0 : i32
    %dma_wait3A_228 = tpu.memref_slice %arg7[%dma_wait3A_224, %dma_wait3A_226, %dma_wait3A_227] : memref<4x128x128xf32, #tpu.memory_space<vmem>> -> memref<1x128x128xf32, #tpu.memory_space<vmem>>
    %dma_wait3A_229 = tpu.memref_squeeze %dma_wait3A_228 : memref<1x128x128xf32, #tpu.memory_space<vmem>> -> memref<128x128xf32, #tpu.memory_space<vmem>>
    %dma_wait3A_230 = arith.constant 384 : i32
    %dma_wait3A_231 = tpu.memref_slice %arg6[%dma_wait3A_230] : memref<25600xi32, #tpu.memory_space<vmem>> -> memref<128xi32, #tpu.memory_space<vmem>>
    %dma_wait3A_232 = arith.constant 0 : i32
    %dma_wait3A_233 = arith.constant 0 : i32
    %dma_wait3A_234 = tpu.memref_slice %arg5[%dma_wait3A_232, %dma_wait3A_233] : memref<500x128xf32, #tpu.memory_space<vmem_shared>> -> memref<500x128xf32, #tpu.memory_space<vmem_shared>>
    %dma_wait3A_235 = tpu.memref_slice %arg8[%dma_wait3A_225] : memref<4x!tpu.dma_semaphore, #tpu.memory_space<semaphore_mem>> -> memref<1x!tpu.dma_semaphore, #tpu.memory_space<semaphore_mem>>
    %dma_wait3A_236 = tpu.memref_squeeze %dma_wait3A_235 : memref<1x!tpu.dma_semaphore, #tpu.memory_space<semaphore_mem>> -> memref<!tpu.dma_semaphore, #tpu.memory_space<semaphore_mem>>
    tpu.wait_indirect_dma semaphore(%dma_wait3A_236 : memref<!tpu.dma_semaphore, #tpu.memory_space<semaphore_mem>>) src(%dma_wait3A_234 : memref<500x128xf32, #tpu.memory_space<vmem_shared>>) dst(%dma_wait3A_229 : memref<128x128xf32, #tpu.memory_space<vmem>>)
    %add3A_237 = arith.constant 384 : i32
    %add3A_238 = arith.addi %mul3A_2, %add3A_237 : i32
    %dma_start3A_239 = arith.constant 3 : i32
    %dma_start3A_240 = arith.constant 3 : i32
    %dma_start3A_241 = arith.constant 0 : i32
    %dma_start3A_242 = arith.constant 0 : i32
    %dma_start3A_243 = tpu.memref_slice %arg7[%dma_start3A_239, %dma_start3A_241, %dma_start3A_242] : memref<4x128x128xf32, #tpu.memory_space<vmem>> -> memref<1x128x128xf32, #tpu.memory_space<vmem>>
    %dma_start3A_244 = tpu.memref_squeeze %dma_start3A_243 : memref<1x128x128xf32, #tpu.memory_space<vmem>> -> memref<128x128xf32, #tpu.memory_space<vmem>>
    %dma_start3A_245 = arith.constant 0 : i32
    %dma_start3A_246 = tpu.memref_slice %arg4[%add3A_238, %dma_start3A_245] : memref<819200x128xf32, #tpu.memory_space<hbm>> -> memref<128x128xf32, #tpu.memory_space<hbm>>
    %dma_start3A_247 = tpu.memref_slice %arg9[%dma_start3A_240] : memref<4x!tpu.dma_semaphore, #tpu.memory_space<semaphore_mem>> -> memref<1x!tpu.dma_semaphore, #tpu.memory_space<semaphore_mem>>
    %dma_start3A_248 = tpu.memref_squeeze %dma_start3A_247 : memref<1x!tpu.dma_semaphore, #tpu.memory_space<semaphore_mem>> -> memref<!tpu.dma_semaphore, #tpu.memory_space<semaphore_mem>>
    %dma_start3A_249 = arith.constant 0 : i32
    %dma_start3A_250 = tpu.memref_slice %arg4[%add3A_238, %dma_start3A_249] : memref<819200x128xf32, #tpu.memory_space<hbm>> -> memref<128x128xf32, #tpu.memory_space<hbm>>
    %dma_start3A_251 = arith.constant 0 : i32
    %dma_start3A_252 = arith.constant 0 : i32
    %dma_start3A_253 = tpu.memref_slice %arg7[%dma_start3A_239, %dma_start3A_251, %dma_start3A_252] : memref<4x128x128xf32, #tpu.memory_space<vmem>> -> memref<1x128x128xf32, #tpu.memory_space<vmem>>
    %dma_start3A_254 = tpu.memref_squeeze %dma_start3A_253 : memref<1x128x128xf32, #tpu.memory_space<vmem>> -> memref<128x128xf32, #tpu.memory_space<vmem>>
    tpu.enqueue_dma source(%dma_start3A_254 : memref<128x128xf32, #tpu.memory_space<vmem>>) target(%dma_start3A_250 : memref<128x128xf32, #tpu.memory_space<hbm>>) target_semaphore(%dma_start3A_248 : memref<!tpu.dma_semaphore, #tpu.memory_space<semaphore_mem>>)
    %add3A_255 = arith.constant 256 : i32
    %add3A_256 = arith.addi %mul3A_2, %add3A_255 : i32
    %dma_wait3A_257 = arith.constant 2 : i32
    %dma_wait3A_258 = arith.constant 2 : i32
    %dma_wait3A_259 = arith.constant 0 : i32
    %dma_wait3A_260 = arith.constant 0 : i32
    %dma_wait3A_261 = tpu.memref_slice %arg7[%dma_wait3A_257, %dma_wait3A_259, %dma_wait3A_260] : memref<4x128x128xf32, #tpu.memory_space<vmem>> -> memref<1x128x128xf32, #tpu.memory_space<vmem>>
    %dma_wait3A_262 = tpu.memref_squeeze %dma_wait3A_261 : memref<1x128x128xf32, #tpu.memory_space<vmem>> -> memref<128x128xf32, #tpu.memory_space<vmem>>
    %dma_wait3A_263 = arith.constant 0 : i32
    %dma_wait3A_264 = tpu.memref_slice %arg4[%add3A_256, %dma_wait3A_263] : memref<819200x128xf32, #tpu.memory_space<hbm>> -> memref<128x128xf32, #tpu.memory_space<hbm>>
    %dma_wait3A_265 = tpu.memref_slice %arg9[%dma_wait3A_258] : memref<4x!tpu.dma_semaphore, #tpu.memory_space<semaphore_mem>> -> memref<1x!tpu.dma_semaphore, #tpu.memory_space<semaphore_mem>>
    %dma_wait3A_266 = tpu.memref_squeeze %dma_wait3A_265 : memref<1x!tpu.dma_semaphore, #tpu.memory_space<semaphore_mem>> -> memref<!tpu.dma_semaphore, #tpu.memory_space<semaphore_mem>>
    %dma_wait3A_267 = arith.constant 0 : i32
    %dma_wait3A_268 = tpu.memref_slice %arg4[%add3A_256, %dma_wait3A_267] : memref<819200x128xf32, #tpu.memory_space<hbm>> -> memref<128x128xf32, #tpu.memory_space<hbm>>
    %dma_wait3A_269 = arith.constant 0 : i32
    %dma_wait3A_270 = arith.constant 0 : i32
    %dma_wait3A_271 = tpu.memref_slice %arg7[%dma_wait3A_257, %dma_wait3A_269, %dma_wait3A_270] : memref<4x128x128xf32, #tpu.memory_space<vmem>> -> memref<1x128x128xf32, #tpu.memory_space<vmem>>
    %dma_wait3A_272 = tpu.memref_squeeze %dma_wait3A_271 : memref<1x128x128xf32, #tpu.memory_space<vmem>> -> memref<128x128xf32, #tpu.memory_space<vmem>>
    tpu.wait_dma2 semaphore(%dma_wait3A_266 : memref<!tpu.dma_semaphore, #tpu.memory_space<semaphore_mem>>) src(%dma_wait3A_272 : memref<128x128xf32, #tpu.memory_space<vmem>>) dst(%dma_wait3A_268 : memref<128x128xf32, #tpu.memory_space<hbm>>)
    %dma_start3A_273 = arith.constant 2 : i32
    %dma_start3A_274 = arith.constant 2 : i32
    %dma_start3A_275 = arith.constant 0 : i32
    %dma_start3A_276 = arith.constant 0 : i32
    %dma_start3A_277 = tpu.memref_slice %arg7[%dma_start3A_273, %dma_start3A_275, %dma_start3A_276] : memref<4x128x128xf32, #tpu.memory_space<vmem>> -> memref<1x128x128xf32, #tpu.memory_space<vmem>>
    %dma_start3A_278 = tpu.memref_squeeze %dma_start3A_277 : memref<1x128x128xf32, #tpu.memory_space<vmem>> -> memref<128x128xf32, #tpu.memory_space<vmem>>
    %dma_start3A_279 = arith.constant 768 : i32
    %dma_start3A_280 = tpu.memref_slice %arg6[%dma_start3A_279] : memref<25600xi32, #tpu.memory_space<vmem>> -> memref<128xi32, #tpu.memory_space<vmem>>
    %dma_start3A_281 = arith.constant 0 : i32
    %dma_start3A_282 = arith.constant 0 : i32
    %dma_start3A_283 = tpu.memref_slice %arg5[%dma_start3A_281, %dma_start3A_282] : memref<500x128xf32, #tpu.memory_space<vmem_shared>> -> memref<500x128xf32, #tpu.memory_space<vmem_shared>>
    %dma_start3A_284 = tpu.memref_slice %arg8[%dma_start3A_274] : memref<4x!tpu.dma_semaphore, #tpu.memory_space<semaphore_mem>> -> memref<1x!tpu.dma_semaphore, #tpu.memory_space<semaphore_mem>>
    %dma_start3A_285 = tpu.memref_squeeze %dma_start3A_284 : memref<1x!tpu.dma_semaphore, #tpu.memory_space<semaphore_mem>> -> memref<!tpu.dma_semaphore, #tpu.memory_space<semaphore_mem>>
    tpu.enqueue_indirect_dma source(%dma_start3A_283 : memref<500x128xf32, #tpu.memory_space<vmem_shared>>) target(%dma_start3A_278 : memref<128x128xf32, #tpu.memory_space<vmem>>) offsets(%dma_start3A_280 : memref<128xi32, #tpu.memory_space<vmem>>) semaphore(%dma_start3A_285 : memref<!tpu.dma_semaphore, #tpu.memory_space<semaphore_mem>>)
    %scan3A = arith.constant 0 : i32
    %scan3A_286 = arith.constant 1 : i32
    %scan3A_287 = arith.constant 48 : i32
    %scan3A_288 = arith.addi %scan3A_286, %scan3A_287 : i32
    %scan3A_289 = arith.constant 1 : i32
    scf.for %scan3A_518 = %scan3A_286 to %scan3A_288 step %scan3A_289  : i32 {
      %mul3A_519 = arith.constant 4 : i32
      %mul3A_520 = arith.muli %scan3A_518, %mul3A_519 : i32
      %add3A_521 = arith.constant 0 : i32
      %add3A_522 = arith.addi %mul3A_520, %add3A_521 : i32
      %mul3A_523 = arith.constant 128 : i32
      %mul3A_524 = arith.muli %add3A_522, %mul3A_523 : i32
      %dma_wait3A_525 = arith.constant 0 : i32
      %dma_wait3A_526 = arith.constant 0 : i32
      %dma_wait3A_527 = arith.constant 0 : i32
      %dma_wait3A_528 = arith.constant 0 : i32
      %dma_wait3A_529 = tpu.memref_slice %arg7[%dma_wait3A_525, %dma_wait3A_527, %dma_wait3A_528] : memref<4x128x128xf32, #tpu.memory_space<vmem>> -> memref<1x128x128xf32, #tpu.memory_space<vmem>>
      %dma_wait3A_530 = tpu.memref_squeeze %dma_wait3A_529 : memref<1x128x128xf32, #tpu.memory_space<vmem>> -> memref<128x128xf32, #tpu.memory_space<vmem>>
      %dma_wait3A_531 = tpu.memref_slice %arg6[%mul3A_524] : memref<25600xi32, #tpu.memory_space<vmem>> -> memref<128xi32, #tpu.memory_space<vmem>>
      %dma_wait3A_532 = arith.constant 0 : i32
      %dma_wait3A_533 = arith.constant 0 : i32
      %dma_wait3A_534 = tpu.memref_slice %arg5[%dma_wait3A_532, %dma_wait3A_533] : memref<500x128xf32, #tpu.memory_space<vmem_shared>> -> memref<500x128xf32, #tpu.memory_space<vmem_shared>>
      %dma_wait3A_535 = tpu.memref_slice %arg8[%dma_wait3A_526] : memref<4x!tpu.dma_semaphore, #tpu.memory_space<semaphore_mem>> -> memref<1x!tpu.dma_semaphore, #tpu.memory_space<semaphore_mem>>
      %dma_wait3A_536 = tpu.memref_squeeze %dma_wait3A_535 : memref<1x!tpu.dma_semaphore, #tpu.memory_space<semaphore_mem>> -> memref<!tpu.dma_semaphore, #tpu.memory_space<semaphore_mem>>
      tpu.wait_indirect_dma semaphore(%dma_wait3A_536 : memref<!tpu.dma_semaphore, #tpu.memory_space<semaphore_mem>>) src(%dma_wait3A_534 : memref<500x128xf32, #tpu.memory_space<vmem_shared>>) dst(%dma_wait3A_530 : memref<128x128xf32, #tpu.memory_space<vmem>>)
      %mul3A_537 = arith.constant 128 : i32
      %mul3A_538 = arith.muli %add3A_522, %mul3A_537 : i32
      %add3A_539 = arith.addi %mul3A_2, %mul3A_538 : i32
      %dma_start3A_540 = arith.constant 0 : i32
      %dma_start3A_541 = arith.constant 0 : i32
      %dma_start3A_542 = arith.constant 0 : i32
      %dma_start3A_543 = arith.constant 0 : i32
      %dma_start3A_544 = tpu.memref_slice %arg7[%dma_start3A_540, %dma_start3A_542, %dma_start3A_543] : memref<4x128x128xf32, #tpu.memory_space<vmem>> -> memref<1x128x128xf32, #tpu.memory_space<vmem>>
      %dma_start3A_545 = tpu.memref_squeeze %dma_start3A_544 : memref<1x128x128xf32, #tpu.memory_space<vmem>> -> memref<128x128xf32, #tpu.memory_space<vmem>>
      %dma_start3A_546 = arith.constant 0 : i32
      %dma_start3A_547 = tpu.memref_slice %arg4[%add3A_539, %dma_start3A_546] : memref<819200x128xf32, #tpu.memory_space<hbm>> -> memref<128x128xf32, #tpu.memory_space<hbm>>
      %dma_start3A_548 = tpu.memref_slice %arg9[%dma_start3A_541] : memref<4x!tpu.dma_semaphore, #tpu.memory_space<semaphore_mem>> -> memref<1x!tpu.dma_semaphore, #tpu.memory_space<semaphore_mem>>
      %dma_start3A_549 = tpu.memref_squeeze %dma_start3A_548 : memref<1x!tpu.dma_semaphore, #tpu.memory_space<semaphore_mem>> -> memref<!tpu.dma_semaphore, #tpu.memory_space<semaphore_mem>>
      %dma_start3A_550 = arith.constant 0 : i32
      %dma_start3A_551 = tpu.memref_slice %arg4[%add3A_539, %dma_start3A_550] : memref<819200x128xf32, #tpu.memory_space<hbm>> -> memref<128x128xf32, #tpu.memory_space<hbm>>
      %dma_start3A_552 = arith.constant 0 : i32
      %dma_start3A_553 = arith.constant 0 : i32
      %dma_start3A_554 = tpu.memref_slice %arg7[%dma_start3A_540, %dma_start3A_552, %dma_start3A_553] : memref<4x128x128xf32, #tpu.memory_space<vmem>> -> memref<1x128x128xf32, #tpu.memory_space<vmem>>
      %dma_start3A_555 = tpu.memref_squeeze %dma_start3A_554 : memref<1x128x128xf32, #tpu.memory_space<vmem>> -> memref<128x128xf32, #tpu.memory_space<vmem>>
      tpu.enqueue_dma source(%dma_start3A_555 : memref<128x128xf32, #tpu.memory_space<vmem>>) target(%dma_start3A_551 : memref<128x128xf32, #tpu.memory_space<hbm>>) target_semaphore(%dma_start3A_549 : memref<!tpu.dma_semaphore, #tpu.memory_space<semaphore_mem>>)
      %sub3A = arith.constant 1 : i32
      %sub3A_556 = arith.subi %add3A_522, %sub3A : i32
      %mul3A_557 = arith.constant 128 : i32
      %mul3A_558 = arith.muli %sub3A_556, %mul3A_557 : i32
      %add3A_559 = arith.addi %mul3A_2, %mul3A_558 : i32
      %dma_wait3A_560 = arith.constant 3 : i32
      %dma_wait3A_561 = arith.constant 3 : i32
      %dma_wait3A_562 = arith.constant 0 : i32
      %dma_wait3A_563 = arith.constant 0 : i32
      %dma_wait3A_564 = tpu.memref_slice %arg7[%dma_wait3A_560, %dma_wait3A_562, %dma_wait3A_563] : memref<4x128x128xf32, #tpu.memory_space<vmem>> -> memref<1x128x128xf32, #tpu.memory_space<vmem>>
      %dma_wait3A_565 = tpu.memref_squeeze %dma_wait3A_564 : memref<1x128x128xf32, #tpu.memory_space<vmem>> -> memref<128x128xf32, #tpu.memory_space<vmem>>
      %dma_wait3A_566 = arith.constant 0 : i32
      %dma_wait3A_567 = tpu.memref_slice %arg4[%add3A_559, %dma_wait3A_566] : memref<819200x128xf32, #tpu.memory_space<hbm>> -> memref<128x128xf32, #tpu.memory_space<hbm>>
      %dma_wait3A_568 = tpu.memref_slice %arg9[%dma_wait3A_561] : memref<4x!tpu.dma_semaphore, #tpu.memory_space<semaphore_mem>> -> memref<1x!tpu.dma_semaphore, #tpu.memory_space<semaphore_mem>>
      %dma_wait3A_569 = tpu.memref_squeeze %dma_wait3A_568 : memref<1x!tpu.dma_semaphore, #tpu.memory_space<semaphore_mem>> -> memref<!tpu.dma_semaphore, #tpu.memory_space<semaphore_mem>>
      %dma_wait3A_570 = arith.constant 0 : i32
      %dma_wait3A_571 = tpu.memref_slice %arg4[%add3A_559, %dma_wait3A_570] : memref<819200x128xf32, #tpu.memory_space<hbm>> -> memref<128x128xf32, #tpu.memory_space<hbm>>
      %dma_wait3A_572 = arith.constant 0 : i32
      %dma_wait3A_573 = arith.constant 0 : i32
      %dma_wait3A_574 = tpu.memref_slice %arg7[%dma_wait3A_560, %dma_wait3A_572, %dma_wait3A_573] : memref<4x128x128xf32, #tpu.memory_space<vmem>> -> memref<1x128x128xf32, #tpu.memory_space<vmem>>
      %dma_wait3A_575 = tpu.memref_squeeze %dma_wait3A_574 : memref<1x128x128xf32, #tpu.memory_space<vmem>> -> memref<128x128xf32, #tpu.memory_space<vmem>>
      tpu.wait_dma2 semaphore(%dma_wait3A_569 : memref<!tpu.dma_semaphore, #tpu.memory_space<semaphore_mem>>) src(%dma_wait3A_575 : memref<128x128xf32, #tpu.memory_space<vmem>>) dst(%dma_wait3A_571 : memref<128x128xf32, #tpu.memory_space<hbm>>)
      %add3A_576 = arith.constant 4 : i32
      %add3A_577 = arith.addi %add3A_522, %add3A_576 : i32
      %sub3A_578 = arith.constant 1 : i32
      %sub3A_579 = arith.subi %add3A_577, %sub3A_578 : i32
      %mul3A_580 = arith.constant 128 : i32
      %mul3A_581 = arith.muli %sub3A_579, %mul3A_580 : i32
      %dma_start3A_582 = arith.constant 3 : i32
      %dma_start3A_583 = arith.constant 3 : i32
      %dma_start3A_584 = arith.constant 0 : i32
      %dma_start3A_585 = arith.constant 0 : i32
      %dma_start3A_586 = tpu.memref_slice %arg7[%dma_start3A_582, %dma_start3A_584, %dma_start3A_585] : memref<4x128x128xf32, #tpu.memory_space<vmem>> -> memref<1x128x128xf32, #tpu.memory_space<vmem>>
      %dma_start3A_587 = tpu.memref_squeeze %dma_start3A_586 : memref<1x128x128xf32, #tpu.memory_space<vmem>> -> memref<128x128xf32, #tpu.memory_space<vmem>>
      %dma_start3A_588 = tpu.memref_slice %arg6[%mul3A_581] : memref<25600xi32, #tpu.memory_space<vmem>> -> memref<128xi32, #tpu.memory_space<vmem>>
      %dma_start3A_589 = arith.constant 0 : i32
      %dma_start3A_590 = arith.constant 0 : i32
      %dma_start3A_591 = tpu.memref_slice %arg5[%dma_start3A_589, %dma_start3A_590] : memref<500x128xf32, #tpu.memory_space<vmem_shared>> -> memref<500x128xf32, #tpu.memory_space<vmem_shared>>
      %dma_start3A_592 = tpu.memref_slice %arg8[%dma_start3A_583] : memref<4x!tpu.dma_semaphore, #tpu.memory_space<semaphore_mem>> -> memref<1x!tpu.dma_semaphore, #tpu.memory_space<semaphore_mem>>
      %dma_start3A_593 = tpu.memref_squeeze %dma_start3A_592 : memref<1x!tpu.dma_semaphore, #tpu.memory_space<semaphore_mem>> -> memref<!tpu.dma_semaphore, #tpu.memory_space<semaphore_mem>>
      tpu.enqueue_indirect_dma source(%dma_start3A_591 : memref<500x128xf32, #tpu.memory_space<vmem_shared>>) target(%dma_start3A_587 : memref<128x128xf32, #tpu.memory_space<vmem>>) offsets(%dma_start3A_588 : memref<128xi32, #tpu.memory_space<vmem>>) semaphore(%dma_start3A_593 : memref<!tpu.dma_semaphore, #tpu.memory_space<semaphore_mem>>)
      %add3A_594 = arith.constant 1 : i32
      %add3A_595 = arith.addi %mul3A_520, %add3A_594 : i32
      %mul3A_596 = arith.constant 128 : i32
      %mul3A_597 = arith.muli %add3A_595, %mul3A_596 : i32
      %dma_wait3A_598 = arith.constant 1 : i32
      %dma_wait3A_599 = arith.constant 1 : i32
      %dma_wait3A_600 = arith.constant 0 : i32
      %dma_wait3A_601 = arith.constant 0 : i32
      %dma_wait3A_602 = tpu.memref_slice %arg7[%dma_wait3A_598, %dma_wait3A_600, %dma_wait3A_601] : memref<4x128x128xf32, #tpu.memory_space<vmem>> -> memref<1x128x128xf32, #tpu.memory_space<vmem>>
      %dma_wait3A_603 = tpu.memref_squeeze %dma_wait3A_602 : memref<1x128x128xf32, #tpu.memory_space<vmem>> -> memref<128x128xf32, #tpu.memory_space<vmem>>
      %dma_wait3A_604 = tpu.memref_slice %arg6[%mul3A_597] : memref<25600xi32, #tpu.memory_space<vmem>> -> memref<128xi32, #tpu.memory_space<vmem>>
      %dma_wait3A_605 = arith.constant 0 : i32
      %dma_wait3A_606 = arith.constant 0 : i32
      %dma_wait3A_607 = tpu.memref_slice %arg5[%dma_wait3A_605, %dma_wait3A_606] : memref<500x128xf32, #tpu.memory_space<vmem_shared>> -> memref<500x128xf32, #tpu.memory_space<vmem_shared>>
      %dma_wait3A_608 = tpu.memref_slice %arg8[%dma_wait3A_599] : memref<4x!tpu.dma_semaphore, #tpu.memory_space<semaphore_mem>> -> memref<1x!tpu.dma_semaphore, #tpu.memory_space<semaphore_mem>>
      %dma_wait3A_609 = tpu.memref_squeeze %dma_wait3A_608 : memref<1x!tpu.dma_semaphore, #tpu.memory_space<semaphore_mem>> -> memref<!tpu.dma_semaphore, #tpu.memory_space<semaphore_mem>>
      tpu.wait_indirect_dma semaphore(%dma_wait3A_609 : memref<!tpu.dma_semaphore, #tpu.memory_space<semaphore_mem>>) src(%dma_wait3A_607 : memref<500x128xf32, #tpu.memory_space<vmem_shared>>) dst(%dma_wait3A_603 : memref<128x128xf32, #tpu.memory_space<vmem>>)
      %mul3A_610 = arith.constant 128 : i32
      %mul3A_611 = arith.muli %add3A_595, %mul3A_610 : i32
      %add3A_612 = arith.addi %mul3A_2, %mul3A_611 : i32
      %dma_start3A_613 = arith.constant 1 : i32
      %dma_start3A_614 = arith.constant 1 : i32
      %dma_start3A_615 = arith.constant 0 : i32
      %dma_start3A_616 = arith.constant 0 : i32
      %dma_start3A_617 = tpu.memref_slice %arg7[%dma_start3A_613, %dma_start3A_615, %dma_start3A_616] : memref<4x128x128xf32, #tpu.memory_space<vmem>> -> memref<1x128x128xf32, #tpu.memory_space<vmem>>
      %dma_start3A_618 = tpu.memref_squeeze %dma_start3A_617 : memref<1x128x128xf32, #tpu.memory_space<vmem>> -> memref<128x128xf32, #tpu.memory_space<vmem>>
      %dma_start3A_619 = arith.constant 0 : i32
      %dma_start3A_620 = tpu.memref_slice %arg4[%add3A_612, %dma_start3A_619] : memref<819200x128xf32, #tpu.memory_space<hbm>> -> memref<128x128xf32, #tpu.memory_space<hbm>>
      %dma_start3A_621 = tpu.memref_slice %arg9[%dma_start3A_614] : memref<4x!tpu.dma_semaphore, #tpu.memory_space<semaphore_mem>> -> memref<1x!tpu.dma_semaphore, #tpu.memory_space<semaphore_mem>>
      %dma_start3A_622 = tpu.memref_squeeze %dma_start3A_621 : memref<1x!tpu.dma_semaphore, #tpu.memory_space<semaphore_mem>> -> memref<!tpu.dma_semaphore, #tpu.memory_space<semaphore_mem>>
      %dma_start3A_623 = arith.constant 0 : i32
      %dma_start3A_624 = tpu.memref_slice %arg4[%add3A_612, %dma_start3A_623] : memref<819200x128xf32, #tpu.memory_space<hbm>> -> memref<128x128xf32, #tpu.memory_space<hbm>>
      %dma_start3A_625 = arith.constant 0 : i32
      %dma_start3A_626 = arith.constant 0 : i32
      %dma_start3A_627 = tpu.memref_slice %arg7[%dma_start3A_613, %dma_start3A_625, %dma_start3A_626] : memref<4x128x128xf32, #tpu.memory_space<vmem>> -> memref<1x128x128xf32, #tpu.memory_space<vmem>>
      %dma_start3A_628 = tpu.memref_squeeze %dma_start3A_627 : memref<1x128x128xf32, #tpu.memory_space<vmem>> -> memref<128x128xf32, #tpu.memory_space<vmem>>
      tpu.enqueue_dma source(%dma_start3A_628 : memref<128x128xf32, #tpu.memory_space<vmem>>) target(%dma_start3A_624 : memref<128x128xf32, #tpu.memory_space<hbm>>) target_semaphore(%dma_start3A_622 : memref<!tpu.dma_semaphore, #tpu.memory_space<semaphore_mem>>)
      %sub3A_629 = arith.constant 1 : i32
      %sub3A_630 = arith.subi %add3A_595, %sub3A_629 : i32
      %mul3A_631 = arith.constant 128 : i32
      %mul3A_632 = arith.muli %sub3A_630, %mul3A_631 : i32
      %add3A_633 = arith.addi %mul3A_2, %mul3A_632 : i32
      %dma_wait3A_634 = arith.constant 0 : i32
      %dma_wait3A_635 = arith.constant 0 : i32
      %dma_wait3A_636 = arith.constant 0 : i32
      %dma_wait3A_637 = arith.constant 0 : i32
      %dma_wait3A_638 = tpu.memref_slice %arg7[%dma_wait3A_634, %dma_wait3A_636, %dma_wait3A_637] : memref<4x128x128xf32, #tpu.memory_space<vmem>> -> memref<1x128x128xf32, #tpu.memory_space<vmem>>
      %dma_wait3A_639 = tpu.memref_squeeze %dma_wait3A_638 : memref<1x128x128xf32, #tpu.memory_space<vmem>> -> memref<128x128xf32, #tpu.memory_space<vmem>>
      %dma_wait3A_640 = arith.constant 0 : i32
      %dma_wait3A_641 = tpu.memref_slice %arg4[%add3A_633, %dma_wait3A_640] : memref<819200x128xf32, #tpu.memory_space<hbm>> -> memref<128x128xf32, #tpu.memory_space<hbm>>
      %dma_wait3A_642 = tpu.memref_slice %arg9[%dma_wait3A_635] : memref<4x!tpu.dma_semaphore, #tpu.memory_space<semaphore_mem>> -> memref<1x!tpu.dma_semaphore, #tpu.memory_space<semaphore_mem>>
      %dma_wait3A_643 = tpu.memref_squeeze %dma_wait3A_642 : memref<1x!tpu.dma_semaphore, #tpu.memory_space<semaphore_mem>> -> memref<!tpu.dma_semaphore, #tpu.memory_space<semaphore_mem>>
      %dma_wait3A_644 = arith.constant 0 : i32
      %dma_wait3A_645 = tpu.memref_slice %arg4[%add3A_633, %dma_wait3A_644] : memref<819200x128xf32, #tpu.memory_space<hbm>> -> memref<128x128xf32, #tpu.memory_space<hbm>>
      %dma_wait3A_646 = arith.constant 0 : i32
      %dma_wait3A_647 = arith.constant 0 : i32
      %dma_wait3A_648 = tpu.memref_slice %arg7[%dma_wait3A_634, %dma_wait3A_646, %dma_wait3A_647] : memref<4x128x128xf32, #tpu.memory_space<vmem>> -> memref<1x128x128xf32, #tpu.memory_space<vmem>>
      %dma_wait3A_649 = tpu.memref_squeeze %dma_wait3A_648 : memref<1x128x128xf32, #tpu.memory_space<vmem>> -> memref<128x128xf32, #tpu.memory_space<vmem>>
      tpu.wait_dma2 semaphore(%dma_wait3A_643 : memref<!tpu.dma_semaphore, #tpu.memory_space<semaphore_mem>>) src(%dma_wait3A_649 : memref<128x128xf32, #tpu.memory_space<vmem>>) dst(%dma_wait3A_645 : memref<128x128xf32, #tpu.memory_space<hbm>>)
      %add3A_650 = arith.constant 4 : i32
      %add3A_651 = arith.addi %add3A_595, %add3A_650 : i32
      %sub3A_652 = arith.constant 1 : i32
      %sub3A_653 = arith.subi %add3A_651, %sub3A_652 : i32
      %mul3A_654 = arith.constant 128 : i32
      %mul3A_655 = arith.muli %sub3A_653, %mul3A_654 : i32
      %dma_start3A_656 = arith.constant 0 : i32
      %dma_start3A_657 = arith.constant 0 : i32
      %dma_start3A_658 = arith.constant 0 : i32
      %dma_start3A_659 = arith.constant 0 : i32
      %dma_start3A_660 = tpu.memref_slice %arg7[%dma_start3A_656, %dma_start3A_658, %dma_start3A_659] : memref<4x128x128xf32, #tpu.memory_space<vmem>> -> memref<1x128x128xf32, #tpu.memory_space<vmem>>
      %dma_start3A_661 = tpu.memref_squeeze %dma_start3A_660 : memref<1x128x128xf32, #tpu.memory_space<vmem>> -> memref<128x128xf32, #tpu.memory_space<vmem>>
      %dma_start3A_662 = tpu.memref_slice %arg6[%mul3A_655] : memref<25600xi32, #tpu.memory_space<vmem>> -> memref<128xi32, #tpu.memory_space<vmem>>
      %dma_start3A_663 = arith.constant 0 : i32
      %dma_start3A_664 = arith.constant 0 : i32
      %dma_start3A_665 = tpu.memref_slice %arg5[%dma_start3A_663, %dma_start3A_664] : memref<500x128xf32, #tpu.memory_space<vmem_shared>> -> memref<500x128xf32, #tpu.memory_space<vmem_shared>>
      %dma_start3A_666 = tpu.memref_slice %arg8[%dma_start3A_657] : memref<4x!tpu.dma_semaphore, #tpu.memory_space<semaphore_mem>> -> memref<1x!tpu.dma_semaphore, #tpu.memory_space<semaphore_mem>>
      %dma_start3A_667 = tpu.memref_squeeze %dma_start3A_666 : memref<1x!tpu.dma_semaphore, #tpu.memory_space<semaphore_mem>> -> memref<!tpu.dma_semaphore, #tpu.memory_space<semaphore_mem>>
      tpu.enqueue_indirect_dma source(%dma_start3A_665 : memref<500x128xf32, #tpu.memory_space<vmem_shared>>) target(%dma_start3A_661 : memref<128x128xf32, #tpu.memory_space<vmem>>) offsets(%dma_start3A_662 : memref<128xi32, #tpu.memory_space<vmem>>) semaphore(%dma_start3A_667 : memref<!tpu.dma_semaphore, #tpu.memory_space<semaphore_mem>>)
      %add3A_668 = arith.constant 2 : i32
      %add3A_669 = arith.addi %mul3A_520, %add3A_668 : i32
      %mul3A_670 = arith.constant 128 : i32
      %mul3A_671 = arith.muli %add3A_669, %mul3A_670 : i32
      %dma_wait3A_672 = arith.constant 2 : i32
      %dma_wait3A_673 = arith.constant 2 : i32
      %dma_wait3A_674 = arith.constant 0 : i32
      %dma_wait3A_675 = arith.constant 0 : i32
      %dma_wait3A_676 = tpu.memref_slice %arg7[%dma_wait3A_672, %dma_wait3A_674, %dma_wait3A_675] : memref<4x128x128xf32, #tpu.memory_space<vmem>> -> memref<1x128x128xf32, #tpu.memory_space<vmem>>
      %dma_wait3A_677 = tpu.memref_squeeze %dma_wait3A_676 : memref<1x128x128xf32, #tpu.memory_space<vmem>> -> memref<128x128xf32, #tpu.memory_space<vmem>>
      %dma_wait3A_678 = tpu.memref_slice %arg6[%mul3A_671] : memref<25600xi32, #tpu.memory_space<vmem>> -> memref<128xi32, #tpu.memory_space<vmem>>
      %dma_wait3A_679 = arith.constant 0 : i32
      %dma_wait3A_680 = arith.constant 0 : i32
      %dma_wait3A_681 = tpu.memref_slice %arg5[%dma_wait3A_679, %dma_wait3A_680] : memref<500x128xf32, #tpu.memory_space<vmem_shared>> -> memref<500x128xf32, #tpu.memory_space<vmem_shared>>
      %dma_wait3A_682 = tpu.memref_slice %arg8[%dma_wait3A_673] : memref<4x!tpu.dma_semaphore, #tpu.memory_space<semaphore_mem>> -> memref<1x!tpu.dma_semaphore, #tpu.memory_space<semaphore_mem>>
      %dma_wait3A_683 = tpu.memref_squeeze %dma_wait3A_682 : memref<1x!tpu.dma_semaphore, #tpu.memory_space<semaphore_mem>> -> memref<!tpu.dma_semaphore, #tpu.memory_space<semaphore_mem>>
      tpu.wait_indirect_dma semaphore(%dma_wait3A_683 : memref<!tpu.dma_semaphore, #tpu.memory_space<semaphore_mem>>) src(%dma_wait3A_681 : memref<500x128xf32, #tpu.memory_space<vmem_shared>>) dst(%dma_wait3A_677 : memref<128x128xf32, #tpu.memory_space<vmem>>)
      %mul3A_684 = arith.constant 128 : i32
      %mul3A_685 = arith.muli %add3A_669, %mul3A_684 : i32
      %add3A_686 = arith.addi %mul3A_2, %mul3A_685 : i32
      %dma_start3A_687 = arith.constant 2 : i32
      %dma_start3A_688 = arith.constant 2 : i32
      %dma_start3A_689 = arith.constant 0 : i32
      %dma_start3A_690 = arith.constant 0 : i32
      %dma_start3A_691 = tpu.memref_slice %arg7[%dma_start3A_687, %dma_start3A_689, %dma_start3A_690] : memref<4x128x128xf32, #tpu.memory_space<vmem>> -> memref<1x128x128xf32, #tpu.memory_space<vmem>>
      %dma_start3A_692 = tpu.memref_squeeze %dma_start3A_691 : memref<1x128x128xf32, #tpu.memory_space<vmem>> -> memref<128x128xf32, #tpu.memory_space<vmem>>
      %dma_start3A_693 = arith.constant 0 : i32
      %dma_start3A_694 = tpu.memref_slice %arg4[%add3A_686, %dma_start3A_693] : memref<819200x128xf32, #tpu.memory_space<hbm>> -> memref<128x128xf32, #tpu.memory_space<hbm>>
      %dma_start3A_695 = tpu.memref_slice %arg9[%dma_start3A_688] : memref<4x!tpu.dma_semaphore, #tpu.memory_space<semaphore_mem>> -> memref<1x!tpu.dma_semaphore, #tpu.memory_space<semaphore_mem>>
      %dma_start3A_696 = tpu.memref_squeeze %dma_start3A_695 : memref<1x!tpu.dma_semaphore, #tpu.memory_space<semaphore_mem>> -> memref<!tpu.dma_semaphore, #tpu.memory_space<semaphore_mem>>
      %dma_start3A_697 = arith.constant 0 : i32
      %dma_start3A_698 = tpu.memref_slice %arg4[%add3A_686, %dma_start3A_697] : memref<819200x128xf32, #tpu.memory_space<hbm>> -> memref<128x128xf32, #tpu.memory_space<hbm>>
      %dma_start3A_699 = arith.constant 0 : i32
      %dma_start3A_700 = arith.constant 0 : i32
      %dma_start3A_701 = tpu.memref_slice %arg7[%dma_start3A_687, %dma_start3A_699, %dma_start3A_700] : memref<4x128x128xf32, #tpu.memory_space<vmem>> -> memref<1x128x128xf32, #tpu.memory_space<vmem>>
      %dma_start3A_702 = tpu.memref_squeeze %dma_start3A_701 : memref<1x128x128xf32, #tpu.memory_space<vmem>> -> memref<128x128xf32, #tpu.memory_space<vmem>>
      tpu.enqueue_dma source(%dma_start3A_702 : memref<128x128xf32, #tpu.memory_space<vmem>>) target(%dma_start3A_698 : memref<128x128xf32, #tpu.memory_space<hbm>>) target_semaphore(%dma_start3A_696 : memref<!tpu.dma_semaphore, #tpu.memory_space<semaphore_mem>>)
      %sub3A_703 = arith.constant 1 : i32
      %sub3A_704 = arith.subi %add3A_669, %sub3A_703 : i32
      %mul3A_705 = arith.constant 128 : i32
      %mul3A_706 = arith.muli %sub3A_704, %mul3A_705 : i32
      %add3A_707 = arith.addi %mul3A_2, %mul3A_706 : i32
      %dma_wait3A_708 = arith.constant 1 : i32
      %dma_wait3A_709 = arith.constant 1 : i32
      %dma_wait3A_710 = arith.constant 0 : i32
      %dma_wait3A_711 = arith.constant 0 : i32
      %dma_wait3A_712 = tpu.memref_slice %arg7[%dma_wait3A_708, %dma_wait3A_710, %dma_wait3A_711] : memref<4x128x128xf32, #tpu.memory_space<vmem>> -> memref<1x128x128xf32, #tpu.memory_space<vmem>>
      %dma_wait3A_713 = tpu.memref_squeeze %dma_wait3A_712 : memref<1x128x128xf32, #tpu.memory_space<vmem>> -> memref<128x128xf32, #tpu.memory_space<vmem>>
      %dma_wait3A_714 = arith.constant 0 : i32
      %dma_wait3A_715 = tpu.memref_slice %arg4[%add3A_707, %dma_wait3A_714] : memref<819200x128xf32, #tpu.memory_space<hbm>> -> memref<128x128xf32, #tpu.memory_space<hbm>>
      %dma_wait3A_716 = tpu.memref_slice %arg9[%dma_wait3A_709] : memref<4x!tpu.dma_semaphore, #tpu.memory_space<semaphore_mem>> -> memref<1x!tpu.dma_semaphore, #tpu.memory_space<semaphore_mem>>
      %dma_wait3A_717 = tpu.memref_squeeze %dma_wait3A_716 : memref<1x!tpu.dma_semaphore, #tpu.memory_space<semaphore_mem>> -> memref<!tpu.dma_semaphore, #tpu.memory_space<semaphore_mem>>
      %dma_wait3A_718 = arith.constant 0 : i32
      %dma_wait3A_719 = tpu.memref_slice %arg4[%add3A_707, %dma_wait3A_718] : memref<819200x128xf32, #tpu.memory_space<hbm>> -> memref<128x128xf32, #tpu.memory_space<hbm>>
      %dma_wait3A_720 = arith.constant 0 : i32
      %dma_wait3A_721 = arith.constant 0 : i32
      %dma_wait3A_722 = tpu.memref_slice %arg7[%dma_wait3A_708, %dma_wait3A_720, %dma_wait3A_721] : memref<4x128x128xf32, #tpu.memory_space<vmem>> -> memref<1x128x128xf32, #tpu.memory_space<vmem>>
      %dma_wait3A_723 = tpu.memref_squeeze %dma_wait3A_722 : memref<1x128x128xf32, #tpu.memory_space<vmem>> -> memref<128x128xf32, #tpu.memory_space<vmem>>
      tpu.wait_dma2 semaphore(%dma_wait3A_717 : memref<!tpu.dma_semaphore, #tpu.memory_space<semaphore_mem>>) src(%dma_wait3A_723 : memref<128x128xf32, #tpu.memory_space<vmem>>) dst(%dma_wait3A_719 : memref<128x128xf32, #tpu.memory_space<hbm>>)
      %add3A_724 = arith.constant 4 : i32
      %add3A_725 = arith.addi %add3A_669, %add3A_724 : i32
      %sub3A_726 = arith.constant 1 : i32
      %sub3A_727 = arith.subi %add3A_725, %sub3A_726 : i32
      %mul3A_728 = arith.constant 128 : i32
      %mul3A_729 = arith.muli %sub3A_727, %mul3A_728 : i32
      %dma_start3A_730 = arith.constant 1 : i32
      %dma_start3A_731 = arith.constant 1 : i32
      %dma_start3A_732 = arith.constant 0 : i32
      %dma_start3A_733 = arith.constant 0 : i32
      %dma_start3A_734 = tpu.memref_slice %arg7[%dma_start3A_730, %dma_start3A_732, %dma_start3A_733] : memref<4x128x128xf32, #tpu.memory_space<vmem>> -> memref<1x128x128xf32, #tpu.memory_space<vmem>>
      %dma_start3A_735 = tpu.memref_squeeze %dma_start3A_734 : memref<1x128x128xf32, #tpu.memory_space<vmem>> -> memref<128x128xf32, #tpu.memory_space<vmem>>
      %dma_start3A_736 = tpu.memref_slice %arg6[%mul3A_729] : memref<25600xi32, #tpu.memory_space<vmem>> -> memref<128xi32, #tpu.memory_space<vmem>>
      %dma_start3A_737 = arith.constant 0 : i32
      %dma_start3A_738 = arith.constant 0 : i32
      %dma_start3A_739 = tpu.memref_slice %arg5[%dma_start3A_737, %dma_start3A_738] : memref<500x128xf32, #tpu.memory_space<vmem_shared>> -> memref<500x128xf32, #tpu.memory_space<vmem_shared>>
      %dma_start3A_740 = tpu.memref_slice %arg8[%dma_start3A_731] : memref<4x!tpu.dma_semaphore, #tpu.memory_space<semaphore_mem>> -> memref<1x!tpu.dma_semaphore, #tpu.memory_space<semaphore_mem>>
      %dma_start3A_741 = tpu.memref_squeeze %dma_start3A_740 : memref<1x!tpu.dma_semaphore, #tpu.memory_space<semaphore_mem>> -> memref<!tpu.dma_semaphore, #tpu.memory_space<semaphore_mem>>
      tpu.enqueue_indirect_dma source(%dma_start3A_739 : memref<500x128xf32, #tpu.memory_space<vmem_shared>>) target(%dma_start3A_735 : memref<128x128xf32, #tpu.memory_space<vmem>>) offsets(%dma_start3A_736 : memref<128xi32, #tpu.memory_space<vmem>>) semaphore(%dma_start3A_741 : memref<!tpu.dma_semaphore, #tpu.memory_space<semaphore_mem>>)
      %add3A_742 = arith.constant 3 : i32
      %add3A_743 = arith.addi %mul3A_520, %add3A_742 : i32
      %mul3A_744 = arith.constant 128 : i32
      %mul3A_745 = arith.muli %add3A_743, %mul3A_744 : i32
      %dma_wait3A_746 = arith.constant 3 : i32
      %dma_wait3A_747 = arith.constant 3 : i32
      %dma_wait3A_748 = arith.constant 0 : i32
      %dma_wait3A_749 = arith.constant 0 : i32
      %dma_wait3A_750 = tpu.memref_slice %arg7[%dma_wait3A_746, %dma_wait3A_748, %dma_wait3A_749] : memref<4x128x128xf32, #tpu.memory_space<vmem>> -> memref<1x128x128xf32, #tpu.memory_space<vmem>>
      %dma_wait3A_751 = tpu.memref_squeeze %dma_wait3A_750 : memref<1x128x128xf32, #tpu.memory_space<vmem>> -> memref<128x128xf32, #tpu.memory_space<vmem>>
      %dma_wait3A_752 = tpu.memref_slice %arg6[%mul3A_745] : memref<25600xi32, #tpu.memory_space<vmem>> -> memref<128xi32, #tpu.memory_space<vmem>>
      %dma_wait3A_753 = arith.constant 0 : i32
      %dma_wait3A_754 = arith.constant 0 : i32
      %dma_wait3A_755 = tpu.memref_slice %arg5[%dma_wait3A_753, %dma_wait3A_754] : memref<500x128xf32, #tpu.memory_space<vmem_shared>> -> memref<500x128xf32, #tpu.memory_space<vmem_shared>>
      %dma_wait3A_756 = tpu.memref_slice %arg8[%dma_wait3A_747] : memref<4x!tpu.dma_semaphore, #tpu.memory_space<semaphore_mem>> -> memref<1x!tpu.dma_semaphore, #tpu.memory_space<semaphore_mem>>
      %dma_wait3A_757 = tpu.memref_squeeze %dma_wait3A_756 : memref<1x!tpu.dma_semaphore, #tpu.memory_space<semaphore_mem>> -> memref<!tpu.dma_semaphore, #tpu.memory_space<semaphore_mem>>
      tpu.wait_indirect_dma semaphore(%dma_wait3A_757 : memref<!tpu.dma_semaphore, #tpu.memory_space<semaphore_mem>>) src(%dma_wait3A_755 : memref<500x128xf32, #tpu.memory_space<vmem_shared>>) dst(%dma_wait3A_751 : memref<128x128xf32, #tpu.memory_space<vmem>>)
      %mul3A_758 = arith.constant 128 : i32
      %mul3A_759 = arith.muli %add3A_743, %mul3A_758 : i32
      %add3A_760 = arith.addi %mul3A_2, %mul3A_759 : i32
      %dma_start3A_761 = arith.constant 3 : i32
      %dma_start3A_762 = arith.constant 3 : i32
      %dma_start3A_763 = arith.constant 0 : i32
      %dma_start3A_764 = arith.constant 0 : i32
      %dma_start3A_765 = tpu.memref_slice %arg7[%dma_start3A_761, %dma_start3A_763, %dma_start3A_764] : memref<4x128x128xf32, #tpu.memory_space<vmem>> -> memref<1x128x128xf32, #tpu.memory_space<vmem>>
      %dma_start3A_766 = tpu.memref_squeeze %dma_start3A_765 : memref<1x128x128xf32, #tpu.memory_space<vmem>> -> memref<128x128xf32, #tpu.memory_space<vmem>>
      %dma_start3A_767 = arith.constant 0 : i32
      %dma_start3A_768 = tpu.memref_slice %arg4[%add3A_760, %dma_start3A_767] : memref<819200x128xf32, #tpu.memory_space<hbm>> -> memref<128x128xf32, #tpu.memory_space<hbm>>
      %dma_start3A_769 = tpu.memref_slice %arg9[%dma_start3A_762] : memref<4x!tpu.dma_semaphore, #tpu.memory_space<semaphore_mem>> -> memref<1x!tpu.dma_semaphore, #tpu.memory_space<semaphore_mem>>
      %dma_start3A_770 = tpu.memref_squeeze %dma_start3A_769 : memref<1x!tpu.dma_semaphore, #tpu.memory_space<semaphore_mem>> -> memref<!tpu.dma_semaphore, #tpu.memory_space<semaphore_mem>>
      %dma_start3A_771 = arith.constant 0 : i32
      %dma_start3A_772 = tpu.memref_slice %arg4[%add3A_760, %dma_start3A_771] : memref<819200x128xf32, #tpu.memory_space<hbm>> -> memref<128x128xf32, #tpu.memory_space<hbm>>
      %dma_start3A_773 = arith.constant 0 : i32
      %dma_start3A_774 = arith.constant 0 : i32
      %dma_start3A_775 = tpu.memref_slice %arg7[%dma_start3A_761, %dma_start3A_773, %dma_start3A_774] : memref<4x128x128xf32, #tpu.memory_space<vmem>> -> memref<1x128x128xf32, #tpu.memory_space<vmem>>
      %dma_start3A_776 = tpu.memref_squeeze %dma_start3A_775 : memref<1x128x128xf32, #tpu.memory_space<vmem>> -> memref<128x128xf32, #tpu.memory_space<vmem>>
      tpu.enqueue_dma source(%dma_start3A_776 : memref<128x128xf32, #tpu.memory_space<vmem>>) target(%dma_start3A_772 : memref<128x128xf32, #tpu.memory_space<hbm>>) target_semaphore(%dma_start3A_770 : memref<!tpu.dma_semaphore, #tpu.memory_space<semaphore_mem>>)
      %sub3A_777 = arith.constant 1 : i32
      %sub3A_778 = arith.subi %add3A_743, %sub3A_777 : i32
      %mul3A_779 = arith.constant 128 : i32
      %mul3A_780 = arith.muli %sub3A_778, %mul3A_779 : i32
      %add3A_781 = arith.addi %mul3A_2, %mul3A_780 : i32
      %dma_wait3A_782 = arith.constant 2 : i32
      %dma_wait3A_783 = arith.constant 2 : i32
      %dma_wait3A_784 = arith.constant 0 : i32
      %dma_wait3A_785 = arith.constant 0 : i32
      %dma_wait3A_786 = tpu.memref_slice %arg7[%dma_wait3A_782, %dma_wait3A_784, %dma_wait3A_785] : memref<4x128x128xf32, #tpu.memory_space<vmem>> -> memref<1x128x128xf32, #tpu.memory_space<vmem>>
      %dma_wait3A_787 = tpu.memref_squeeze %dma_wait3A_786 : memref<1x128x128xf32, #tpu.memory_space<vmem>> -> memref<128x128xf32, #tpu.memory_space<vmem>>
      %dma_wait3A_788 = arith.constant 0 : i32
      %dma_wait3A_789 = tpu.memref_slice %arg4[%add3A_781, %dma_wait3A_788] : memref<819200x128xf32, #tpu.memory_space<hbm>> -> memref<128x128xf32, #tpu.memory_space<hbm>>
      %dma_wait3A_790 = tpu.memref_slice %arg9[%dma_wait3A_783] : memref<4x!tpu.dma_semaphore, #tpu.memory_space<semaphore_mem>> -> memref<1x!tpu.dma_semaphore, #tpu.memory_space<semaphore_mem>>
      %dma_wait3A_791 = tpu.memref_squeeze %dma_wait3A_790 : memref<1x!tpu.dma_semaphore, #tpu.memory_space<semaphore_mem>> -> memref<!tpu.dma_semaphore, #tpu.memory_space<semaphore_mem>>
      %dma_wait3A_792 = arith.constant 0 : i32
      %dma_wait3A_793 = tpu.memref_slice %arg4[%add3A_781, %dma_wait3A_792] : memref<819200x128xf32, #tpu.memory_space<hbm>> -> memref<128x128xf32, #tpu.memory_space<hbm>>
      %dma_wait3A_794 = arith.constant 0 : i32
      %dma_wait3A_795 = arith.constant 0 : i32
      %dma_wait3A_796 = tpu.memref_slice %arg7[%dma_wait3A_782, %dma_wait3A_794, %dma_wait3A_795] : memref<4x128x128xf32, #tpu.memory_space<vmem>> -> memref<1x128x128xf32, #tpu.memory_space<vmem>>
      %dma_wait3A_797 = tpu.memref_squeeze %dma_wait3A_796 : memref<1x128x128xf32, #tpu.memory_space<vmem>> -> memref<128x128xf32, #tpu.memory_space<vmem>>
      tpu.wait_dma2 semaphore(%dma_wait3A_791 : memref<!tpu.dma_semaphore, #tpu.memory_space<semaphore_mem>>) src(%dma_wait3A_797 : memref<128x128xf32, #tpu.memory_space<vmem>>) dst(%dma_wait3A_793 : memref<128x128xf32, #tpu.memory_space<hbm>>)
      %add3A_798 = arith.constant 4 : i32
      %add3A_799 = arith.addi %add3A_743, %add3A_798 : i32
      %sub3A_800 = arith.constant 1 : i32
      %sub3A_801 = arith.subi %add3A_799, %sub3A_800 : i32
      %mul3A_802 = arith.constant 128 : i32
      %mul3A_803 = arith.muli %sub3A_801, %mul3A_802 : i32
      %dma_start3A_804 = arith.constant 2 : i32
      %dma_start3A_805 = arith.constant 2 : i32
      %dma_start3A_806 = arith.constant 0 : i32
      %dma_start3A_807 = arith.constant 0 : i32
      %dma_start3A_808 = tpu.memref_slice %arg7[%dma_start3A_804, %dma_start3A_806, %dma_start3A_807] : memref<4x128x128xf32, #tpu.memory_space<vmem>> -> memref<1x128x128xf32, #tpu.memory_space<vmem>>
      %dma_start3A_809 = tpu.memref_squeeze %dma_start3A_808 : memref<1x128x128xf32, #tpu.memory_space<vmem>> -> memref<128x128xf32, #tpu.memory_space<vmem>>
      %dma_start3A_810 = tpu.memref_slice %arg6[%mul3A_803] : memref<25600xi32, #tpu.memory_space<vmem>> -> memref<128xi32, #tpu.memory_space<vmem>>
      %dma_start3A_811 = arith.constant 0 : i32
      %dma_start3A_812 = arith.constant 0 : i32
      %dma_start3A_813 = tpu.memref_slice %arg5[%dma_start3A_811, %dma_start3A_812] : memref<500x128xf32, #tpu.memory_space<vmem_shared>> -> memref<500x128xf32, #tpu.memory_space<vmem_shared>>
      %dma_start3A_814 = tpu.memref_slice %arg8[%dma_start3A_805] : memref<4x!tpu.dma_semaphore, #tpu.memory_space<semaphore_mem>> -> memref<1x!tpu.dma_semaphore, #tpu.memory_space<semaphore_mem>>
      %dma_start3A_815 = tpu.memref_squeeze %dma_start3A_814 : memref<1x!tpu.dma_semaphore, #tpu.memory_space<semaphore_mem>> -> memref<!tpu.dma_semaphore, #tpu.memory_space<semaphore_mem>>
      tpu.enqueue_indirect_dma source(%dma_start3A_813 : memref<500x128xf32, #tpu.memory_space<vmem_shared>>) target(%dma_start3A_809 : memref<128x128xf32, #tpu.memory_space<vmem>>) offsets(%dma_start3A_810 : memref<128xi32, #tpu.memory_space<vmem>>) semaphore(%dma_start3A_815 : memref<!tpu.dma_semaphore, #tpu.memory_space<semaphore_mem>>)
    }
    %scan3A_290 = arith.constant 48 : i32
    %dma_wait3A_291 = arith.constant 0 : i32
    %dma_wait3A_292 = arith.constant 0 : i32
    %dma_wait3A_293 = arith.constant 0 : i32
    %dma_wait3A_294 = arith.constant 0 : i32
    %dma_wait3A_295 = tpu.memref_slice %arg7[%dma_wait3A_291, %dma_wait3A_293, %dma_wait3A_294] : memref<4x128x128xf32, #tpu.memory_space<vmem>> -> memref<1x128x128xf32, #tpu.memory_space<vmem>>
    %dma_wait3A_296 = tpu.memref_squeeze %dma_wait3A_295 : memref<1x128x128xf32, #tpu.memory_space<vmem>> -> memref<128x128xf32, #tpu.memory_space<vmem>>
    %dma_wait3A_297 = arith.constant 25088 : i32
    %dma_wait3A_298 = tpu.memref_slice %arg6[%dma_wait3A_297] : memref<25600xi32, #tpu.memory_space<vmem>> -> memref<128xi32, #tpu.memory_space<vmem>>
    %dma_wait3A_299 = arith.constant 0 : i32
    %dma_wait3A_300 = arith.constant 0 : i32
    %dma_wait3A_301 = tpu.memref_slice %arg5[%dma_wait3A_299, %dma_wait3A_300] : memref<500x128xf32, #tpu.memory_space<vmem_shared>> -> memref<500x128xf32, #tpu.memory_space<vmem_shared>>
    %dma_wait3A_302 = tpu.memref_slice %arg8[%dma_wait3A_292] : memref<4x!tpu.dma_semaphore, #tpu.memory_space<semaphore_mem>> -> memref<1x!tpu.dma_semaphore, #tpu.memory_space<semaphore_mem>>
    %dma_wait3A_303 = tpu.memref_squeeze %dma_wait3A_302 : memref<1x!tpu.dma_semaphore, #tpu.memory_space<semaphore_mem>> -> memref<!tpu.dma_semaphore, #tpu.memory_space<semaphore_mem>>
    tpu.wait_indirect_dma semaphore(%dma_wait3A_303 : memref<!tpu.dma_semaphore, #tpu.memory_space<semaphore_mem>>) src(%dma_wait3A_301 : memref<500x128xf32, #tpu.memory_space<vmem_shared>>) dst(%dma_wait3A_296 : memref<128x128xf32, #tpu.memory_space<vmem>>)
    %add3A_304 = arith.constant 25088 : i32
    %add3A_305 = arith.addi %mul3A_2, %add3A_304 : i32
    %dma_start3A_306 = arith.constant 0 : i32
    %dma_start3A_307 = arith.constant 0 : i32
    %dma_start3A_308 = arith.constant 0 : i32
    %dma_start3A_309 = arith.constant 0 : i32
    %dma_start3A_310 = tpu.memref_slice %arg7[%dma_start3A_306, %dma_start3A_308, %dma_start3A_309] : memref<4x128x128xf32, #tpu.memory_space<vmem>> -> memref<1x128x128xf32, #tpu.memory_space<vmem>>
    %dma_start3A_311 = tpu.memref_squeeze %dma_start3A_310 : memref<1x128x128xf32, #tpu.memory_space<vmem>> -> memref<128x128xf32, #tpu.memory_space<vmem>>
    %dma_start3A_312 = arith.constant 0 : i32
    %dma_start3A_313 = tpu.memref_slice %arg4[%add3A_305, %dma_start3A_312] : memref<819200x128xf32, #tpu.memory_space<hbm>> -> memref<128x128xf32, #tpu.memory_space<hbm>>
    %dma_start3A_314 = tpu.memref_slice %arg9[%dma_start3A_307] : memref<4x!tpu.dma_semaphore, #tpu.memory_space<semaphore_mem>> -> memref<1x!tpu.dma_semaphore, #tpu.memory_space<semaphore_mem>>
    %dma_start3A_315 = tpu.memref_squeeze %dma_start3A_314 : memref<1x!tpu.dma_semaphore, #tpu.memory_space<semaphore_mem>> -> memref<!tpu.dma_semaphore, #tpu.memory_space<semaphore_mem>>
    %dma_start3A_316 = arith.constant 0 : i32
    %dma_start3A_317 = tpu.memref_slice %arg4[%add3A_305, %dma_start3A_316] : memref<819200x128xf32, #tpu.memory_space<hbm>> -> memref<128x128xf32, #tpu.memory_space<hbm>>
    %dma_start3A_318 = arith.constant 0 : i32
    %dma_start3A_319 = arith.constant 0 : i32
    %dma_start3A_320 = tpu.memref_slice %arg7[%dma_start3A_306, %dma_start3A_318, %dma_start3A_319] : memref<4x128x128xf32, #tpu.memory_space<vmem>> -> memref<1x128x128xf32, #tpu.memory_space<vmem>>
    %dma_start3A_321 = tpu.memref_squeeze %dma_start3A_320 : memref<1x128x128xf32, #tpu.memory_space<vmem>> -> memref<128x128xf32, #tpu.memory_space<vmem>>
    tpu.enqueue_dma source(%dma_start3A_321 : memref<128x128xf32, #tpu.memory_space<vmem>>) target(%dma_start3A_317 : memref<128x128xf32, #tpu.memory_space<hbm>>) target_semaphore(%dma_start3A_315 : memref<!tpu.dma_semaphore, #tpu.memory_space<semaphore_mem>>)
    %add3A_322 = arith.constant 24960 : i32
    %add3A_323 = arith.addi %mul3A_2, %add3A_322 : i32
    %dma_wait3A_324 = arith.constant 3 : i32
    %dma_wait3A_325 = arith.constant 3 : i32
    %dma_wait3A_326 = arith.constant 0 : i32
    %dma_wait3A_327 = arith.constant 0 : i32
    %dma_wait3A_328 = tpu.memref_slice %arg7[%dma_wait3A_324, %dma_wait3A_326, %dma_wait3A_327] : memref<4x128x128xf32, #tpu.memory_space<vmem>> -> memref<1x128x128xf32, #tpu.memory_space<vmem>>
    %dma_wait3A_329 = tpu.memref_squeeze %dma_wait3A_328 : memref<1x128x128xf32, #tpu.memory_space<vmem>> -> memref<128x128xf32, #tpu.memory_space<vmem>>
    %dma_wait3A_330 = arith.constant 0 : i32
    %dma_wait3A_331 = tpu.memref_slice %arg4[%add3A_323, %dma_wait3A_330] : memref<819200x128xf32, #tpu.memory_space<hbm>> -> memref<128x128xf32, #tpu.memory_space<hbm>>
    %dma_wait3A_332 = tpu.memref_slice %arg9[%dma_wait3A_325] : memref<4x!tpu.dma_semaphore, #tpu.memory_space<semaphore_mem>> -> memref<1x!tpu.dma_semaphore, #tpu.memory_space<semaphore_mem>>
    %dma_wait3A_333 = tpu.memref_squeeze %dma_wait3A_332 : memref<1x!tpu.dma_semaphore, #tpu.memory_space<semaphore_mem>> -> memref<!tpu.dma_semaphore, #tpu.memory_space<semaphore_mem>>
    %dma_wait3A_334 = arith.constant 0 : i32
    %dma_wait3A_335 = tpu.memref_slice %arg4[%add3A_323, %dma_wait3A_334] : memref<819200x128xf32, #tpu.memory_space<hbm>> -> memref<128x128xf32, #tpu.memory_space<hbm>>
    %dma_wait3A_336 = arith.constant 0 : i32
    %dma_wait3A_337 = arith.constant 0 : i32
    %dma_wait3A_338 = tpu.memref_slice %arg7[%dma_wait3A_324, %dma_wait3A_336, %dma_wait3A_337] : memref<4x128x128xf32, #tpu.memory_space<vmem>> -> memref<1x128x128xf32, #tpu.memory_space<vmem>>
    %dma_wait3A_339 = tpu.memref_squeeze %dma_wait3A_338 : memref<1x128x128xf32, #tpu.memory_space<vmem>> -> memref<128x128xf32, #tpu.memory_space<vmem>>
    tpu.wait_dma2 semaphore(%dma_wait3A_333 : memref<!tpu.dma_semaphore, #tpu.memory_space<semaphore_mem>>) src(%dma_wait3A_339 : memref<128x128xf32, #tpu.memory_space<vmem>>) dst(%dma_wait3A_335 : memref<128x128xf32, #tpu.memory_space<hbm>>)
    %dma_start3A_340 = arith.constant 3 : i32
    %dma_start3A_341 = arith.constant 3 : i32
    %dma_start3A_342 = arith.constant 0 : i32
    %dma_start3A_343 = arith.constant 0 : i32
    %dma_start3A_344 = tpu.memref_slice %arg7[%dma_start3A_340, %dma_start3A_342, %dma_start3A_343] : memref<4x128x128xf32, #tpu.memory_space<vmem>> -> memref<1x128x128xf32, #tpu.memory_space<vmem>>
    %dma_start3A_345 = tpu.memref_squeeze %dma_start3A_344 : memref<1x128x128xf32, #tpu.memory_space<vmem>> -> memref<128x128xf32, #tpu.memory_space<vmem>>
    %dma_start3A_346 = arith.constant 25472 : i32
    %dma_start3A_347 = tpu.memref_slice %arg6[%dma_start3A_346] : memref<25600xi32, #tpu.memory_space<vmem>> -> memref<128xi32, #tpu.memory_space<vmem>>
    %dma_start3A_348 = arith.constant 0 : i32
    %dma_start3A_349 = arith.constant 0 : i32
    %dma_start3A_350 = tpu.memref_slice %arg5[%dma_start3A_348, %dma_start3A_349] : memref<500x128xf32, #tpu.memory_space<vmem_shared>> -> memref<500x128xf32, #tpu.memory_space<vmem_shared>>
    %dma_start3A_351 = tpu.memref_slice %arg8[%dma_start3A_341] : memref<4x!tpu.dma_semaphore, #tpu.memory_space<semaphore_mem>> -> memref<1x!tpu.dma_semaphore, #tpu.memory_space<semaphore_mem>>
    %dma_start3A_352 = tpu.memref_squeeze %dma_start3A_351 : memref<1x!tpu.dma_semaphore, #tpu.memory_space<semaphore_mem>> -> memref<!tpu.dma_semaphore, #tpu.memory_space<semaphore_mem>>
    tpu.enqueue_indirect_dma source(%dma_start3A_350 : memref<500x128xf32, #tpu.memory_space<vmem_shared>>) target(%dma_start3A_345 : memref<128x128xf32, #tpu.memory_space<vmem>>) offsets(%dma_start3A_347 : memref<128xi32, #tpu.memory_space<vmem>>) semaphore(%dma_start3A_352 : memref<!tpu.dma_semaphore, #tpu.memory_space<semaphore_mem>>)
    %dma_wait3A_353 = arith.constant 1 : i32
    %dma_wait3A_354 = arith.constant 1 : i32
    %dma_wait3A_355 = arith.constant 0 : i32
    %dma_wait3A_356 = arith.constant 0 : i32
    %dma_wait3A_357 = tpu.memref_slice %arg7[%dma_wait3A_353, %dma_wait3A_355, %dma_wait3A_356] : memref<4x128x128xf32, #tpu.memory_space<vmem>> -> memref<1x128x128xf32, #tpu.memory_space<vmem>>
    %dma_wait3A_358 = tpu.memref_squeeze %dma_wait3A_357 : memref<1x128x128xf32, #tpu.memory_space<vmem>> -> memref<128x128xf32, #tpu.memory_space<vmem>>
    %dma_wait3A_359 = arith.constant 25216 : i32
    %dma_wait3A_360 = tpu.memref_slice %arg6[%dma_wait3A_359] : memref<25600xi32, #tpu.memory_space<vmem>> -> memref<128xi32, #tpu.memory_space<vmem>>
    %dma_wait3A_361 = arith.constant 0 : i32
    %dma_wait3A_362 = arith.constant 0 : i32
    %dma_wait3A_363 = tpu.memref_slice %arg5[%dma_wait3A_361, %dma_wait3A_362] : memref<500x128xf32, #tpu.memory_space<vmem_shared>> -> memref<500x128xf32, #tpu.memory_space<vmem_shared>>
    %dma_wait3A_364 = tpu.memref_slice %arg8[%dma_wait3A_354] : memref<4x!tpu.dma_semaphore, #tpu.memory_space<semaphore_mem>> -> memref<1x!tpu.dma_semaphore, #tpu.memory_space<semaphore_mem>>
    %dma_wait3A_365 = tpu.memref_squeeze %dma_wait3A_364 : memref<1x!tpu.dma_semaphore, #tpu.memory_space<semaphore_mem>> -> memref<!tpu.dma_semaphore, #tpu.memory_space<semaphore_mem>>
    tpu.wait_indirect_dma semaphore(%dma_wait3A_365 : memref<!tpu.dma_semaphore, #tpu.memory_space<semaphore_mem>>) src(%dma_wait3A_363 : memref<500x128xf32, #tpu.memory_space<vmem_shared>>) dst(%dma_wait3A_358 : memref<128x128xf32, #tpu.memory_space<vmem>>)
    %add3A_366 = arith.constant 25216 : i32
    %add3A_367 = arith.addi %mul3A_2, %add3A_366 : i32
    %dma_start3A_368 = arith.constant 1 : i32
    %dma_start3A_369 = arith.constant 1 : i32
    %dma_start3A_370 = arith.constant 0 : i32
    %dma_start3A_371 = arith.constant 0 : i32
    %dma_start3A_372 = tpu.memref_slice %arg7[%dma_start3A_368, %dma_start3A_370, %dma_start3A_371] : memref<4x128x128xf32, #tpu.memory_space<vmem>> -> memref<1x128x128xf32, #tpu.memory_space<vmem>>
    %dma_start3A_373 = tpu.memref_squeeze %dma_start3A_372 : memref<1x128x128xf32, #tpu.memory_space<vmem>> -> memref<128x128xf32, #tpu.memory_space<vmem>>
    %dma_start3A_374 = arith.constant 0 : i32
    %dma_start3A_375 = tpu.memref_slice %arg4[%add3A_367, %dma_start3A_374] : memref<819200x128xf32, #tpu.memory_space<hbm>> -> memref<128x128xf32, #tpu.memory_space<hbm>>
    %dma_start3A_376 = tpu.memref_slice %arg9[%dma_start3A_369] : memref<4x!tpu.dma_semaphore, #tpu.memory_space<semaphore_mem>> -> memref<1x!tpu.dma_semaphore, #tpu.memory_space<semaphore_mem>>
    %dma_start3A_377 = tpu.memref_squeeze %dma_start3A_376 : memref<1x!tpu.dma_semaphore, #tpu.memory_space<semaphore_mem>> -> memref<!tpu.dma_semaphore, #tpu.memory_space<semaphore_mem>>
    %dma_start3A_378 = arith.constant 0 : i32
    %dma_start3A_379 = tpu.memref_slice %arg4[%add3A_367, %dma_start3A_378] : memref<819200x128xf32, #tpu.memory_space<hbm>> -> memref<128x128xf32, #tpu.memory_space<hbm>>
    %dma_start3A_380 = arith.constant 0 : i32
    %dma_start3A_381 = arith.constant 0 : i32
    %dma_start3A_382 = tpu.memref_slice %arg7[%dma_start3A_368, %dma_start3A_380, %dma_start3A_381] : memref<4x128x128xf32, #tpu.memory_space<vmem>> -> memref<1x128x128xf32, #tpu.memory_space<vmem>>
    %dma_start3A_383 = tpu.memref_squeeze %dma_start3A_382 : memref<1x128x128xf32, #tpu.memory_space<vmem>> -> memref<128x128xf32, #tpu.memory_space<vmem>>
    tpu.enqueue_dma source(%dma_start3A_383 : memref<128x128xf32, #tpu.memory_space<vmem>>) target(%dma_start3A_379 : memref<128x128xf32, #tpu.memory_space<hbm>>) target_semaphore(%dma_start3A_377 : memref<!tpu.dma_semaphore, #tpu.memory_space<semaphore_mem>>)
    %dma_wait3A_384 = arith.constant 2 : i32
    %dma_wait3A_385 = arith.constant 2 : i32
    %dma_wait3A_386 = arith.constant 0 : i32
    %dma_wait3A_387 = arith.constant 0 : i32
    %dma_wait3A_388 = tpu.memref_slice %arg7[%dma_wait3A_384, %dma_wait3A_386, %dma_wait3A_387] : memref<4x128x128xf32, #tpu.memory_space<vmem>> -> memref<1x128x128xf32, #tpu.memory_space<vmem>>
    %dma_wait3A_389 = tpu.memref_squeeze %dma_wait3A_388 : memref<1x128x128xf32, #tpu.memory_space<vmem>> -> memref<128x128xf32, #tpu.memory_space<vmem>>
    %dma_wait3A_390 = arith.constant 25344 : i32
    %dma_wait3A_391 = tpu.memref_slice %arg6[%dma_wait3A_390] : memref<25600xi32, #tpu.memory_space<vmem>> -> memref<128xi32, #tpu.memory_space<vmem>>
    %dma_wait3A_392 = arith.constant 0 : i32
    %dma_wait3A_393 = arith.constant 0 : i32
    %dma_wait3A_394 = tpu.memref_slice %arg5[%dma_wait3A_392, %dma_wait3A_393] : memref<500x128xf32, #tpu.memory_space<vmem_shared>> -> memref<500x128xf32, #tpu.memory_space<vmem_shared>>
    %dma_wait3A_395 = tpu.memref_slice %arg8[%dma_wait3A_385] : memref<4x!tpu.dma_semaphore, #tpu.memory_space<semaphore_mem>> -> memref<1x!tpu.dma_semaphore, #tpu.memory_space<semaphore_mem>>
    %dma_wait3A_396 = tpu.memref_squeeze %dma_wait3A_395 : memref<1x!tpu.dma_semaphore, #tpu.memory_space<semaphore_mem>> -> memref<!tpu.dma_semaphore, #tpu.memory_space<semaphore_mem>>
    tpu.wait_indirect_dma semaphore(%dma_wait3A_396 : memref<!tpu.dma_semaphore, #tpu.memory_space<semaphore_mem>>) src(%dma_wait3A_394 : memref<500x128xf32, #tpu.memory_space<vmem_shared>>) dst(%dma_wait3A_389 : memref<128x128xf32, #tpu.memory_space<vmem>>)
    %add3A_397 = arith.constant 25344 : i32
    %add3A_398 = arith.addi %mul3A_2, %add3A_397 : i32
    %dma_start3A_399 = arith.constant 2 : i32
    %dma_start3A_400 = arith.constant 2 : i32
    %dma_start3A_401 = arith.constant 0 : i32
    %dma_start3A_402 = arith.constant 0 : i32
    %dma_start3A_403 = tpu.memref_slice %arg7[%dma_start3A_399, %dma_start3A_401, %dma_start3A_402] : memref<4x128x128xf32, #tpu.memory_space<vmem>> -> memref<1x128x128xf32, #tpu.memory_space<vmem>>
    %dma_start3A_404 = tpu.memref_squeeze %dma_start3A_403 : memref<1x128x128xf32, #tpu.memory_space<vmem>> -> memref<128x128xf32, #tpu.memory_space<vmem>>
    %dma_start3A_405 = arith.constant 0 : i32
    %dma_start3A_406 = tpu.memref_slice %arg4[%add3A_398, %dma_start3A_405] : memref<819200x128xf32, #tpu.memory_space<hbm>> -> memref<128x128xf32, #tpu.memory_space<hbm>>
    %dma_start3A_407 = tpu.memref_slice %arg9[%dma_start3A_400] : memref<4x!tpu.dma_semaphore, #tpu.memory_space<semaphore_mem>> -> memref<1x!tpu.dma_semaphore, #tpu.memory_space<semaphore_mem>>
    %dma_start3A_408 = tpu.memref_squeeze %dma_start3A_407 : memref<1x!tpu.dma_semaphore, #tpu.memory_space<semaphore_mem>> -> memref<!tpu.dma_semaphore, #tpu.memory_space<semaphore_mem>>
    %dma_start3A_409 = arith.constant 0 : i32
    %dma_start3A_410 = tpu.memref_slice %arg4[%add3A_398, %dma_start3A_409] : memref<819200x128xf32, #tpu.memory_space<hbm>> -> memref<128x128xf32, #tpu.memory_space<hbm>>
    %dma_start3A_411 = arith.constant 0 : i32
    %dma_start3A_412 = arith.constant 0 : i32
    %dma_start3A_413 = tpu.memref_slice %arg7[%dma_start3A_399, %dma_start3A_411, %dma_start3A_412] : memref<4x128x128xf32, #tpu.memory_space<vmem>> -> memref<1x128x128xf32, #tpu.memory_space<vmem>>
    %dma_start3A_414 = tpu.memref_squeeze %dma_start3A_413 : memref<1x128x128xf32, #tpu.memory_space<vmem>> -> memref<128x128xf32, #tpu.memory_space<vmem>>
    tpu.enqueue_dma source(%dma_start3A_414 : memref<128x128xf32, #tpu.memory_space<vmem>>) target(%dma_start3A_410 : memref<128x128xf32, #tpu.memory_space<hbm>>) target_semaphore(%dma_start3A_408 : memref<!tpu.dma_semaphore, #tpu.memory_space<semaphore_mem>>)
    %dma_wait3A_415 = arith.constant 3 : i32
    %dma_wait3A_416 = arith.constant 3 : i32
    %dma_wait3A_417 = arith.constant 0 : i32
    %dma_wait3A_418 = arith.constant 0 : i32
    %dma_wait3A_419 = tpu.memref_slice %arg7[%dma_wait3A_415, %dma_wait3A_417, %dma_wait3A_418] : memref<4x128x128xf32, #tpu.memory_space<vmem>> -> memref<1x128x128xf32, #tpu.memory_space<vmem>>
    %dma_wait3A_420 = tpu.memref_squeeze %dma_wait3A_419 : memref<1x128x128xf32, #tpu.memory_space<vmem>> -> memref<128x128xf32, #tpu.memory_space<vmem>>
    %dma_wait3A_421 = arith.constant 25472 : i32
    %dma_wait3A_422 = tpu.memref_slice %arg6[%dma_wait3A_421] : memref<25600xi32, #tpu.memory_space<vmem>> -> memref<128xi32, #tpu.memory_space<vmem>>
    %dma_wait3A_423 = arith.constant 0 : i32
    %dma_wait3A_424 = arith.constant 0 : i32
    %dma_wait3A_425 = tpu.memref_slice %arg5[%dma_wait3A_423, %dma_wait3A_424] : memref<500x128xf32, #tpu.memory_space<vmem_shared>> -> memref<500x128xf32, #tpu.memory_space<vmem_shared>>
    %dma_wait3A_426 = tpu.memref_slice %arg8[%dma_wait3A_416] : memref<4x!tpu.dma_semaphore, #tpu.memory_space<semaphore_mem>> -> memref<1x!tpu.dma_semaphore, #tpu.memory_space<semaphore_mem>>
    %dma_wait3A_427 = tpu.memref_squeeze %dma_wait3A_426 : memref<1x!tpu.dma_semaphore, #tpu.memory_space<semaphore_mem>> -> memref<!tpu.dma_semaphore, #tpu.memory_space<semaphore_mem>>
    tpu.wait_indirect_dma semaphore(%dma_wait3A_427 : memref<!tpu.dma_semaphore, #tpu.memory_space<semaphore_mem>>) src(%dma_wait3A_425 : memref<500x128xf32, #tpu.memory_space<vmem_shared>>) dst(%dma_wait3A_420 : memref<128x128xf32, #tpu.memory_space<vmem>>)
    %add3A_428 = arith.constant 25472 : i32
    %add3A_429 = arith.addi %mul3A_2, %add3A_428 : i32
    %dma_start3A_430 = arith.constant 3 : i32
    %dma_start3A_431 = arith.constant 3 : i32
    %dma_start3A_432 = arith.constant 0 : i32
    %dma_start3A_433 = arith.constant 0 : i32
    %dma_start3A_434 = tpu.memref_slice %arg7[%dma_start3A_430, %dma_start3A_432, %dma_start3A_433] : memref<4x128x128xf32, #tpu.memory_space<vmem>> -> memref<1x128x128xf32, #tpu.memory_space<vmem>>
    %dma_start3A_435 = tpu.memref_squeeze %dma_start3A_434 : memref<1x128x128xf32, #tpu.memory_space<vmem>> -> memref<128x128xf32, #tpu.memory_space<vmem>>
    %dma_start3A_436 = arith.constant 0 : i32
    %dma_start3A_437 = tpu.memref_slice %arg4[%add3A_429, %dma_start3A_436] : memref<819200x128xf32, #tpu.memory_space<hbm>> -> memref<128x128xf32, #tpu.memory_space<hbm>>
    %dma_start3A_438 = tpu.memref_slice %arg9[%dma_start3A_431] : memref<4x!tpu.dma_semaphore, #tpu.memory_space<semaphore_mem>> -> memref<1x!tpu.dma_semaphore, #tpu.memory_space<semaphore_mem>>
    %dma_start3A_439 = tpu.memref_squeeze %dma_start3A_438 : memref<1x!tpu.dma_semaphore, #tpu.memory_space<semaphore_mem>> -> memref<!tpu.dma_semaphore, #tpu.memory_space<semaphore_mem>>
    %dma_start3A_440 = arith.constant 0 : i32
    %dma_start3A_441 = tpu.memref_slice %arg4[%add3A_429, %dma_start3A_440] : memref<819200x128xf32, #tpu.memory_space<hbm>> -> memref<128x128xf32, #tpu.memory_space<hbm>>
    %dma_start3A_442 = arith.constant 0 : i32
    %dma_start3A_443 = arith.constant 0 : i32
    %dma_start3A_444 = tpu.memref_slice %arg7[%dma_start3A_430, %dma_start3A_442, %dma_start3A_443] : memref<4x128x128xf32, #tpu.memory_space<vmem>> -> memref<1x128x128xf32, #tpu.memory_space<vmem>>
    %dma_start3A_445 = tpu.memref_squeeze %dma_start3A_444 : memref<1x128x128xf32, #tpu.memory_space<vmem>> -> memref<128x128xf32, #tpu.memory_space<vmem>>
    tpu.enqueue_dma source(%dma_start3A_445 : memref<128x128xf32, #tpu.memory_space<vmem>>) target(%dma_start3A_441 : memref<128x128xf32, #tpu.memory_space<hbm>>) target_semaphore(%dma_start3A_439 : memref<!tpu.dma_semaphore, #tpu.memory_space<semaphore_mem>>)
    %add3A_446 = arith.constant 25088 : i32
    %add3A_447 = arith.addi %mul3A_2, %add3A_446 : i32
    %dma_wait3A_448 = arith.constant 0 : i32
    %dma_wait3A_449 = arith.constant 0 : i32
    %dma_wait3A_450 = arith.constant 0 : i32
    %dma_wait3A_451 = arith.constant 0 : i32
    %dma_wait3A_452 = tpu.memref_slice %arg7[%dma_wait3A_448, %dma_wait3A_450, %dma_wait3A_451] : memref<4x128x128xf32, #tpu.memory_space<vmem>> -> memref<1x128x128xf32, #tpu.memory_space<vmem>>
    %dma_wait3A_453 = tpu.memref_squeeze %dma_wait3A_452 : memref<1x128x128xf32, #tpu.memory_space<vmem>> -> memref<128x128xf32, #tpu.memory_space<vmem>>
    %dma_wait3A_454 = arith.constant 0 : i32
    %dma_wait3A_455 = tpu.memref_slice %arg4[%add3A_447, %dma_wait3A_454] : memref<819200x128xf32, #tpu.memory_space<hbm>> -> memref<128x128xf32, #tpu.memory_space<hbm>>
    %dma_wait3A_456 = tpu.memref_slice %arg9[%dma_wait3A_449] : memref<4x!tpu.dma_semaphore, #tpu.memory_space<semaphore_mem>> -> memref<1x!tpu.dma_semaphore, #tpu.memory_space<semaphore_mem>>
    %dma_wait3A_457 = tpu.memref_squeeze %dma_wait3A_456 : memref<1x!tpu.dma_semaphore, #tpu.memory_space<semaphore_mem>> -> memref<!tpu.dma_semaphore, #tpu.memory_space<semaphore_mem>>
    %dma_wait3A_458 = arith.constant 0 : i32
    %dma_wait3A_459 = tpu.memref_slice %arg4[%add3A_447, %dma_wait3A_458] : memref<819200x128xf32, #tpu.memory_space<hbm>> -> memref<128x128xf32, #tpu.memory_space<hbm>>
    %dma_wait3A_460 = arith.constant 0 : i32
    %dma_wait3A_461 = arith.constant 0 : i32
    %dma_wait3A_462 = tpu.memref_slice %arg7[%dma_wait3A_448, %dma_wait3A_460, %dma_wait3A_461] : memref<4x128x128xf32, #tpu.memory_space<vmem>> -> memref<1x128x128xf32, #tpu.memory_space<vmem>>
    %dma_wait3A_463 = tpu.memref_squeeze %dma_wait3A_462 : memref<1x128x128xf32, #tpu.memory_space<vmem>> -> memref<128x128xf32, #tpu.memory_space<vmem>>
    tpu.wait_dma2 semaphore(%dma_wait3A_457 : memref<!tpu.dma_semaphore, #tpu.memory_space<semaphore_mem>>) src(%dma_wait3A_463 : memref<128x128xf32, #tpu.memory_space<vmem>>) dst(%dma_wait3A_459 : memref<128x128xf32, #tpu.memory_space<hbm>>)
    %add3A_464 = arith.constant 25216 : i32
    %add3A_465 = arith.addi %mul3A_2, %add3A_464 : i32
    %dma_wait3A_466 = arith.constant 1 : i32
    %dma_wait3A_467 = arith.constant 1 : i32
    %dma_wait3A_468 = arith.constant 0 : i32
    %dma_wait3A_469 = arith.constant 0 : i32
    %dma_wait3A_470 = tpu.memref_slice %arg7[%dma_wait3A_466, %dma_wait3A_468, %dma_wait3A_469] : memref<4x128x128xf32, #tpu.memory_space<vmem>> -> memref<1x128x128xf32, #tpu.memory_space<vmem>>
    %dma_wait3A_471 = tpu.memref_squeeze %dma_wait3A_470 : memref<1x128x128xf32, #tpu.memory_space<vmem>> -> memref<128x128xf32, #tpu.memory_space<vmem>>
    %dma_wait3A_472 = arith.constant 0 : i32
    %dma_wait3A_473 = tpu.memref_slice %arg4[%add3A_465, %dma_wait3A_472] : memref<819200x128xf32, #tpu.memory_space<hbm>> -> memref<128x128xf32, #tpu.memory_space<hbm>>
    %dma_wait3A_474 = tpu.memref_slice %arg9[%dma_wait3A_467] : memref<4x!tpu.dma_semaphore, #tpu.memory_space<semaphore_mem>> -> memref<1x!tpu.dma_semaphore, #tpu.memory_space<semaphore_mem>>
    %dma_wait3A_475 = tpu.memref_squeeze %dma_wait3A_474 : memref<1x!tpu.dma_semaphore, #tpu.memory_space<semaphore_mem>> -> memref<!tpu.dma_semaphore, #tpu.memory_space<semaphore_mem>>
    %dma_wait3A_476 = arith.constant 0 : i32
    %dma_wait3A_477 = tpu.memref_slice %arg4[%add3A_465, %dma_wait3A_476] : memref<819200x128xf32, #tpu.memory_space<hbm>> -> memref<128x128xf32, #tpu.memory_space<hbm>>
    %dma_wait3A_478 = arith.constant 0 : i32
    %dma_wait3A_479 = arith.constant 0 : i32
    %dma_wait3A_480 = tpu.memref_slice %arg7[%dma_wait3A_466, %dma_wait3A_478, %dma_wait3A_479] : memref<4x128x128xf32, #tpu.memory_space<vmem>> -> memref<1x128x128xf32, #tpu.memory_space<vmem>>
    %dma_wait3A_481 = tpu.memref_squeeze %dma_wait3A_480 : memref<1x128x128xf32, #tpu.memory_space<vmem>> -> memref<128x128xf32, #tpu.memory_space<vmem>>
    tpu.wait_dma2 semaphore(%dma_wait3A_475 : memref<!tpu.dma_semaphore, #tpu.memory_space<semaphore_mem>>) src(%dma_wait3A_481 : memref<128x128xf32, #tpu.memory_space<vmem>>) dst(%dma_wait3A_477 : memref<128x128xf32, #tpu.memory_space<hbm>>)
    %add3A_482 = arith.constant 25344 : i32
    %add3A_483 = arith.addi %mul3A_2, %add3A_482 : i32
    %dma_wait3A_484 = arith.constant 2 : i32
    %dma_wait3A_485 = arith.constant 2 : i32
    %dma_wait3A_486 = arith.constant 0 : i32
    %dma_wait3A_487 = arith.constant 0 : i32
    %dma_wait3A_488 = tpu.memref_slice %arg7[%dma_wait3A_484, %dma_wait3A_486, %dma_wait3A_487] : memref<4x128x128xf32, #tpu.memory_space<vmem>> -> memref<1x128x128xf32, #tpu.memory_space<vmem>>
    %dma_wait3A_489 = tpu.memref_squeeze %dma_wait3A_488 : memref<1x128x128xf32, #tpu.memory_space<vmem>> -> memref<128x128xf32, #tpu.memory_space<vmem>>
    %dma_wait3A_490 = arith.constant 0 : i32
    %dma_wait3A_491 = tpu.memref_slice %arg4[%add3A_483, %dma_wait3A_490] : memref<819200x128xf32, #tpu.memory_space<hbm>> -> memref<128x128xf32, #tpu.memory_space<hbm>>
    %dma_wait3A_492 = tpu.memref_slice %arg9[%dma_wait3A_485] : memref<4x!tpu.dma_semaphore, #tpu.memory_space<semaphore_mem>> -> memref<1x!tpu.dma_semaphore, #tpu.memory_space<semaphore_mem>>
    %dma_wait3A_493 = tpu.memref_squeeze %dma_wait3A_492 : memref<1x!tpu.dma_semaphore, #tpu.memory_space<semaphore_mem>> -> memref<!tpu.dma_semaphore, #tpu.memory_space<semaphore_mem>>
    %dma_wait3A_494 = arith.constant 0 : i32
    %dma_wait3A_495 = tpu.memref_slice %arg4[%add3A_483, %dma_wait3A_494] : memref<819200x128xf32, #tpu.memory_space<hbm>> -> memref<128x128xf32, #tpu.memory_space<hbm>>
    %dma_wait3A_496 = arith.constant 0 : i32
    %dma_wait3A_497 = arith.constant 0 : i32
    %dma_wait3A_498 = tpu.memref_slice %arg7[%dma_wait3A_484, %dma_wait3A_496, %dma_wait3A_497] : memref<4x128x128xf32, #tpu.memory_space<vmem>> -> memref<1x128x128xf32, #tpu.memory_space<vmem>>
    %dma_wait3A_499 = tpu.memref_squeeze %dma_wait3A_498 : memref<1x128x128xf32, #tpu.memory_space<vmem>> -> memref<128x128xf32, #tpu.memory_space<vmem>>
    tpu.wait_dma2 semaphore(%dma_wait3A_493 : memref<!tpu.dma_semaphore, #tpu.memory_space<semaphore_mem>>) src(%dma_wait3A_499 : memref<128x128xf32, #tpu.memory_space<vmem>>) dst(%dma_wait3A_495 : memref<128x128xf32, #tpu.memory_space<hbm>>)
    %add3A_500 = arith.constant 25472 : i32
    %add3A_501 = arith.addi %mul3A_2, %add3A_500 : i32
    %dma_wait3A_502 = arith.constant 3 : i32
    %dma_wait3A_503 = arith.constant 3 : i32
    %dma_wait3A_504 = arith.constant 0 : i32
    %dma_wait3A_505 = arith.constant 0 : i32
    %dma_wait3A_506 = tpu.memref_slice %arg7[%dma_wait3A_502, %dma_wait3A_504, %dma_wait3A_505] : memref<4x128x128xf32, #tpu.memory_space<vmem>> -> memref<1x128x128xf32, #tpu.memory_space<vmem>>
    %dma_wait3A_507 = tpu.memref_squeeze %dma_wait3A_506 : memref<1x128x128xf32, #tpu.memory_space<vmem>> -> memref<128x128xf32, #tpu.memory_space<vmem>>
    %dma_wait3A_508 = arith.constant 0 : i32
    %dma_wait3A_509 = tpu.memref_slice %arg4[%add3A_501, %dma_wait3A_508] : memref<819200x128xf32, #tpu.memory_space<hbm>> -> memref<128x128xf32, #tpu.memory_space<hbm>>
    %dma_wait3A_510 = tpu.memref_slice %arg9[%dma_wait3A_503] : memref<4x!tpu.dma_semaphore, #tpu.memory_space<semaphore_mem>> -> memref<1x!tpu.dma_semaphore, #tpu.memory_space<semaphore_mem>>
    %dma_wait3A_511 = tpu.memref_squeeze %dma_wait3A_510 : memref<1x!tpu.dma_semaphore, #tpu.memory_space<semaphore_mem>> -> memref<!tpu.dma_semaphore, #tpu.memory_space<semaphore_mem>>
    %dma_wait3A_512 = arith.constant 0 : i32
    %dma_wait3A_513 = tpu.memref_slice %arg4[%add3A_501, %dma_wait3A_512] : memref<819200x128xf32, #tpu.memory_space<hbm>> -> memref<128x128xf32, #tpu.memory_space<hbm>>
    %dma_wait3A_514 = arith.constant 0 : i32
    %dma_wait3A_515 = arith.constant 0 : i32
    %dma_wait3A_516 = tpu.memref_slice %arg7[%dma_wait3A_502, %dma_wait3A_514, %dma_wait3A_515] : memref<4x128x128xf32, #tpu.memory_space<vmem>> -> memref<1x128x128xf32, #tpu.memory_space<vmem>>
    %dma_wait3A_517 = tpu.memref_squeeze %dma_wait3A_516 : memref<1x128x128xf32, #tpu.memory_space<vmem>> -> memref<128x128xf32, #tpu.memory_space<vmem>>
    tpu.wait_dma2 semaphore(%dma_wait3A_511 : memref<!tpu.dma_semaphore, #tpu.memory_space<semaphore_mem>>) src(%dma_wait3A_517 : memref<128x128xf32, #tpu.memory_space<vmem>>) dst(%dma_wait3A_513 : memref<128x128xf32, #tpu.memory_space<hbm>>)
    return
  }
}

</mosaic_0001>

<sc_bundles>
// kernel: kernel.3.cloned.1.call-start
scs
__scs_entry_jumppad:
0x0: {  	(pc) =	sbr.rel $0x88, $3  }
0x1: {  	(tag) =	ssettag $0x0;
	lr =	simm.s32 $0x1  }
0x2: {  	[smem:$0x3F9F] =	sst lr;
	_ =	strace $0xD0000000  }
0x3: {  	_ = 	snop  }
0x4: {  	_ = 	snop  }
0x5: {  	_ = 	snop  }
0x6: {  	_ = 	snop  }
0x7: {  	_ = 	snop  }
__scs_overlays_trampoline_lowered:
0x8: {  	[smem:$0x3FAE] =	sst s0  }
0x9: {  	[smem:$0x3FAF] =	sst s1  }
0xa: {  	[smem:$0x3FB0] =	sst s2  }
0xb: {  	[smem:$0x3FB1] =	sst s3  }
0xc: {  	[smem:$0x3FB2] =	sst s4  }
0xd: {  	[smem:$0x3FB3] =	sst s5  }
0xe: {  	[smem:$0x3FB4] =	sst s6  }
0xf: {  	[smem:$0x3FB5] =	sst s7  }
0x10: {  	[smem:$0x3FB6] =	sst s8  }
0x11: {  	[smem:$0x3FB7] =	sst s9;
	s0 =	simm.s32 @!p0 $0x0  }
0x12: {  	s1 =	sld [smem:$0x3F9D];
	s0 =	simm.s32 @p0 $0x1  }
0x13: {  	[smem:$0x3FB8] =	sst s0;
	s0 =	simm.s32 @!p1 $0x0  }
0x14: {  	s2 =	sld [smem:$0x3F9C];
	s0 =	simm.s32 @p1 $0x1  }
0x15: {  	[smem:$0x3FB9] =	sst s0;
	s0 =	simm.s32 @!p2 $0x0  }
0x16: {  	s3 =	sld [smem:$0x3FDB];
	s0 =	simm.s32 @p2 $0x1  }
0x17: {  	s4 =	simm.s32 $0x1BF5;
	[smem:$0x3FBB] =	sst s0  }
0x18: {  	s0 =	sld [smem:$0x3F9E];
	_ =	swait.ge [sflag:s4], $0x0  }
0x19: {  	s7 =	sld [smem:$0x3F9F]  }
0x1a: {  	s8 =	sadd.s32 $0xFFFFE003, lr  }
0x1b: {  	s9 =	sadd.s32 $0xFFFFFEF7, lr;
	s5 =	simm.s32 $0xFFFFFFFF;
	p2 =	slt.u32 s8, $0xFFFFF086  }
0x1c: {  	p1 =	slt.u32 s9, $0xF7A;
	s5 =	simm.s32 @!p2 $0x0  }
0x1d: {  	s5 =	simm.s32 @p1 $0x1;
	p0 =	seq.s32 s7, s2  }
0x1e: {  	s7 =	smul.u32 @!p0 $0xF7A, s2;
	p2 =	seq.s32 @!p0 s5, $0x0  }
0x1f: {  	s9 =	smul.u32 $0xF7A, s1;
	s8 =	simm.s32 @!p0 $0x1BF5;
	p2 =	por !p2, p0  }
0x20: {  	[sflag:s8] =	ssyncset.s32 @!p0 $0xFFFFF086;
	s6 =	sadd.s32 @!p0 s3, s7;
	s7 =	simm.s32 @!p0 $0x108  }
0x21: {  	s3 =	sadd.s32 s3, s9;
	s6 =	sadd.s32 @!p0 $0x88, s6;
	s7 =	simm.s32 @p2 $0x1082  }
0x22: {  	[simem:s7], [sflag:s8] =	dma.local @!p0 [hbm:s6], $0xF7A  }
0x23: {  	s9 =	sor.u32 $0xD0000000, s2;
	s6 =	simm.s32 $0x108;
	_ =	swait.ge @!p0 [sflag:s8], $0x0  }
0x24: {  	s3 =	sadd.s32 $0x88, s3;
	s6 =	simm.s32 @!p1 $0x1082;
	[sflag:s4] =	ssyncset.s32 $0xFFFFF086  }
0x25: {  	[simem:s6], [sflag:s4] =	dma.local [hbm:s3], $0xF7A  }
0x26: {  	[smem:$0x3F9F] =	sst s1;
	(tag) =	ssettag s2;
	_ =	strace s9  }
0x27: {  	s1 =	sld [smem:$0x3FAF]  }
0x28: {  	s2 =	sld [smem:$0x3FB0]  }
0x29: {  	s4 =	sld [smem:$0x3FB2]  }
0x2a: {  	p0 =	seq.s32 s5, $0x0;
	s5 =	sld [smem:$0x3FB3]  }
0x2b: {  	s6 =	sld [smem:$0x3FB4]  }
0x2c: {  	s7 =	sld [smem:$0x3FB5]  }
0x2d: {  	s3 =	simm.s32 $0x108;
	s8 =	sld [smem:$0x3FB6]  }
0x2e: {  	s3 =	simm.s32 @!p0 $0x1082;
	s9 =	sld [smem:$0x3FB7]  }
0x2f: {  	lr =	sadd.s32 s0, s3;
	s0 =	sld [smem:$0x3FAE]  }
0x30: {  	s3 =	sld [smem:$0x3FB1]  }
0x31: {  	[smem:$0x3FBA] =	sst s10  }
0x32: {  	s10 =	sld [smem:$0x3FB8];
	_ =	sdelay $0x3  }
0x33: {  	p0 =	seq.s32 s10, $0x1;
	s10 =	sld [smem:$0x3FBA];
	_ =	sdelay $0x3  }
0x34: {  	[smem:$0x3FBA] =	sst s10  }
0x35: {  	s10 =	sld [smem:$0x3FB9];
	_ =	sdelay $0x3  }
0x36: {  	p1 =	seq.s32 s10, $0x1;
	s10 =	sld [smem:$0x3FBA];
	_ =	sdelay $0x3  }
0x37: {  	[smem:$0x3FBA] =	sst s10  }
0x38: {  	s10 =	sld [smem:$0x3FBB]  }
0x39: {  	_ = 	snop;
	(pc) =	sbr.ind lr, $3  }
0x3a: {  	_ = 	snop  }
0x3b: {  	_ = 	snop  }
0x3c: {  	p2 =	seq.s32 s10, $0x1;
	s10 =	sld [smem:$0x3FBA]  }
0x3d: {  	_ =	shalt  }
0x3e: {  	_ =	shalt  }
0x3f: {  	_ =	shalt  }
0x40: {  	_ =	shalt  }
0x41: {  	_ =	shalt  }
0x42: {  	_ =	shalt  }
0x43: {  	_ =	shalt  }
0x44: {  	_ =	shalt  }
0x45: {  	_ =	shalt  }
0x46: {  	_ =	shalt  }
0x47: {  	_ =	shalt  }
0x48: {  	_ =	shalt  }
0x49: {  	_ =	shalt  }
0x4a: {  	_ =	shalt  }
0x4b: {  	_ =	shalt  }
0x4c: {  	_ =	shalt  }
0x4d: {  	_ =	shalt  }
0x4e: {  	_ =	shalt  }
0x4f: {  	_ =	shalt  }
0x50: {  	_ =	shalt  }
0x51: {  	_ =	shalt  }
0x52: {  	_ =	shalt  }
0x53: {  	_ =	shalt  }
0x54: {  	_ =	shalt  }
0x55: {  	_ =	shalt  }
0x56: {  	_ =	shalt  }
0x57: {  	_ =	shalt  }
0x58: {  	_ =	shalt  }
0x59: {  	_ =	shalt  }
0x5a: {  	_ =	shalt  }
0x5b: {  	_ =	shalt  }
0x5c: {  	_ =	shalt  }
0x5d: {  	_ =	shalt  }
0x5e: {  	_ =	shalt  }
0x5f: {  	_ =	shalt  }
0x60: {  	_ =	shalt  }
0x61: {  	_ =	shalt  }
0x62: {  	_ =	shalt  }
0x63: {  	_ =	shalt  }
0x64: {  	_ =	shalt  }
0x65: {  	_ =	shalt  }
0x66: {  	_ =	shalt  }
0x67: {  	_ =	shalt  }
0x68: {  	_ =	shalt  }
0x69: {  	_ =	shalt  }
0x6a: {  	_ =	shalt  }
0x6b: {  	_ =	shalt  }
0x6c: {  	_ =	shalt  }
0x6d: {  	_ =	shalt  }
0x6e: {  	_ =	shalt  }
0x6f: {  	_ =	shalt  }
0x70: {  	_ =	shalt  }
0x71: {  	_ =	shalt  }
0x72: {  	_ =	shalt  }
0x73: {  	_ =	shalt  }
0x74: {  	_ =	shalt  }
0x75: {  	_ =	shalt  }
0x76: {  	_ =	shalt  }
0x77: {  	_ =	shalt  }
0x78: {  	_ =	shalt  }
0x79: {  	_ =	shalt  }
0x7a: {  	_ =	shalt  }
0x7b: {  	_ =	shalt  }
0x7c: {  	_ =	shalt  }
0x7d: {  	_ =	shalt  }
0x7e: {  	_ =	shalt  }
0x7f: {  	_ =	shalt  }
0x80: {  	_ =	shalt  }
0x81: {  	_ =	shalt  }
0x82: {  	_ =	shalt  }
0x83: {  	_ =	shalt  }
0x84: {  	_ =	shalt  }
0x85: {  	_ =	shalt  }
0x86: {  	_ =	shalt  }
0x87: {  	_ =	shalt  }
.Lfunc_end0:
.L_simem_size_0:
called_computation_lowered:
.L_overlay_start_0:
0x88: {  	s2 =	sld [smem:$0x3FD9]  }
0x89: {  	s3 =	sld [smem:$0x3FFE];
	_ =	sdelay $0x1  }
0x8a: {  	s1 =	srdreg.scid  }
0x8b: {  	s0 =	sand.u32 $0x1, s1  }
0x8c: {  	s17 =	sshll.u32 s0, $0xA;
	s2 =	sadd.s32 s3, s2  }
0x8d: {  	s2 =	sadd.s32 s2, s17  }
0x8e: {  	[smem:$0x3FC6] =	sst s2  }
0x8f: {  	_ = 	snop  }
0x90: {  	s2 =	sld [smem:$0x3FD0];
	(tm) =	ssettm $0x1  }
0x91: {  	s18 =	sld [smem:$0x3FFB];
	_ =	sdelay $0x3  }
0x92: {  	_ =	strace s18  }
0x93: {  	s3 =	sld [smem:$0x3FFC];
	_ =	sdelay $0x3  }
0x94: {  	_ =	strace s3  }
0x95: {  	s3 =	sld [smem:$0x3FFD];
	_ =	sdelay $0x3  }
0x96: {  	_ =	strace s3  }
0x97: {  	_ =	strace $0x8FFFFFFF  }
0x98: {  	s19 =	sld [smem:$0x3FDB];
	_ =	sdelay $0x1  }
0x99: {  	s4 =	simm.s32 $_scs_section_size  }
0x9a: {  	s5 =	simm.s32 $_size__tile_overlayer_lowered;
	s6 =	simm.s32 $_tile_overlayer_lowered  }
0x9b: {  	s22 =	simm.s32 $0x1BFF;
	s21 =	sshll.u32 s6, $0x1;
	s3 =	sadd.s32 s4, s19  }
0x9c: {  	s7 =	simm.s32 $0x0;
	s20 =	sshll.u32 s5, $0x1;
	s5 =	sadd.s32 s21, s3  }
0x9d: {  	[timem:s7], [sflag:s22] =	dma.local [hbm:s5], s20  }
0x9e: {  	_ =	swait.ge [sflag:s22], s20  }
0x9f: {  	s4 =	ssub.s32 $0x0, s20;
	[sflag:s22] =	ssyncset.done $0x0  }
0xa0: {  	[sflag:s22] =	ssyncadd.s32 s4;
	_ =	sdelay $0x1  }
0xa1: {  	s23 =	simm.s32 $0x1B8B  }
0xa2: {  	_ =	swait.ge [sflag:s23], $0x1  }
0xa3: {  	[sflag:s23] =	ssyncset.done $0x0  }
0xa4: {  	s25 =	simm.s32 $0x1B8E;
	s24 =	sld [smem:$0x3FFE];
	[sflag:s23] =	ssyncadd.s32 $0xFFFFFFFF  }
0xa5: {  	s26 =	simm.s32 $execute0_lowered;
	[smem:$0x3FD2] =	sst s25  }
0xa6: {  	s5 =	sshll.u32 s26, $0x1;
	_ =	strace $0x80000046;
	[dreg:$0x1] =	wrdreg $0xFFFFFFFF  }
0xa7: {  	s28 =	simm.s32 $_size_execute0_lowered;
	s3 =	sadd.s32 s3, s5;
	[dreg:$0x0] =	wrdreg $0x0  }
0xa8: {  	s5 =	sshll.u32 s28, $0x1;
	[dreg:$0x2] =	wrdreg s3  }
0xa9: {  	[dreg:$0x3] =	wrdreg s5  }
0xaa: {  	[dreg:$0x4] =	wrdreg $0xC0  }
0xab: {  	_ =	task [dreg:s7], $0x5FFFF  }
0xac: {  	[dreg:$0x1] =	wrdreg $0xFFFFFFFF  }
0xad: {  	[dreg:$0x0] =	wrdreg $0x60  }
0xae: {  	[dreg:$0x2] =	wrdreg s24  }
0xaf: {  	[dreg:$0x3] =	wrdreg s2  }
0xb0: {  	[dreg:$0x4] =	wrdreg $0x0  }
0xb1: {  	[dreg:$0x5] =	wrdreg $0x9  }
0xb2: {  	_ =	task.clear_ibuf [dreg:s7], $0x6FFFF;
	_ =	strace $0x90000046  }
0xb3: {  	s29 =	simm.s32 $0x9;
	_ =	strace $0x80000048  }
0xb4: {  	_ =	swait.ge [sflag:s29], $0x1  }
0xb5: {  	[sflag:s29] =	ssyncadd.s32 $0xFFFFFFFF  }
0xb6: {  	_ =	strace $0x90000048  }
0xb7: {  	_ =	sfence  }
0xb8: {  	s30 =	sld [smem:$0x0];
	_ =	sdelay $0x2  }
0xb9: {  	s31 =	sshll.u32 s1, $0xD;
	s1 =	sshrl.u32 s1, $0x2  }
0xba: {  	s3 =	sand.u32 $0x4000, s31;
	s1 =	sadd.s32 s1, s30  }
0xbb: {  	s0 =	sor.u32 s3, s0;
	s1 =	sshll.u32 s1, $0x11  }
0xbc: {  	s0 =	sor.u32 s1, s0  }
0xbd: {  	s0 =	sadd.s32 $0x8F2B, s0  }
0xbe: {  	[sflag:s0] =	ssyncadd.remote.s32 $0x1  }
0xbf: {  	_ =	sfence.sel $0xFFFF  }
0xc0: {  	[dreg:$0x0] =	wrdreg $0xFFFFFFFF;
	(pc) =	sbr.abs _section_cstart, $3  }
0xc1: {  	[dreg:$0x1] =	wrdreg $0xFFFFFFFF  }
0xc2: {  	_ =	task.clear_ibuf [dreg:s7], $0x2FFFF;
	_ =	strace $0x9FFFFFFF  }
0xc3: {  	(tm) =	ssettm $0x7FFFFFFF  }
tec
execute0_lowered:
.L_overlay_start_1:
0x0: {  	(tag) =	ssettag $0x1  }
0x1: {  	s0 =	rddreg [dreg:$0x0]  }
0x2: {  	s1 =	rddreg [dreg:$0x1]  }
0x3: {  	s11 =	stileid.u32;
	s3 =	srdreg.scid  }
0x4: {  	s2 =	rddreg [dreg:$0x2];
	s29 =	simm.s32 $0xF3A0;
	s30 =	simm.s32 $0x1  }
0x5: {  	s28 =	simm.s32 $0x3;
	s31 =	simm.s32 $0x6;
	s19 =	smul.u32 $0x640000, s11  }
0x6: {  	s4 =	sand.u32 $0x1, s3;
	s5 =	sshll.u32 s11, $0x1;
	s25 =	smul.u32 $0xC8000, s11  }
0x7: {  	s3 =	simm.s32 $0x0;
	s7 =	sshll.u32 s11, $0x9;
	s20 =	smul.u32 $0x320000, s4  }
0x8: {  	s5 =	sor.u32 s4, s5;
	s8 =	ssub.s32 $0x2, s4;
	s4 =	smul.u32 $0x64000, s4  }
0x9: {  	s17 =	sshll.u32 s11, $0xC;
	p0 =	seq.s32 s11, $0xF;
	s6 =	smul.u32 $0x6400, s5  }
0xa: {  	[smem:$0x7FF] =	sst s3;
	s7 =	sadd.s32 s7, s0;
	s10 =	smul.u32 $0x64000, s5  }
0xb: {  	_ =	strace $0x80000047;
	s9 =	sshrl.u32 s8, $0x1;
	s5 =	smul.u32 $0x320000, s5  }
0xc: {  	s7 =	sadd.s32 $0x400, s7;
	s26 =	sadd.s32 s25, s1;
	s25 =	simm.s32 $0x4  }
0xd: {  	s8 =	ssub.s32 s8, s9;
	[dreg:$0x5] =	wrdreg s7;
	s9 =	sadd.s32 $0xF000, s2  }
0xe: {  	s6 =	sshrl.u32 s6, $0x3;
	s7 =	sadd.s32 s1, s10;
	s18 =	sshrl.u32 s5, $0x3  }
0xf: {  	s5 =	sadd.s32 s20, s19;
	s6 =	sadd.s32 s6, s0;
	s0 =	sadd.s32 $0x2200, s0  }
0x10: {  	s15 =	smax.u32 s8, $0x1;
	s10 =	sadd.s32 $0x800, s7;
	[dreg:$0x6] =	wrdreg s0  }
0x11: {  	s19 =	sshrl.u32 @p0 s9, $0x3;
	s12 =	sadd.s32 $0x1000, s7;
	[dreg:$0x7] =	wrdreg s10  }
0x12: {  	s21 =	sadd.s32 $0x1800, s7;
	s24 =	sor.u32 $0x10000, s5;
	[dreg:$0x8] =	wrdreg s12  }
0x13: {  	s5 =	simm.s32 $0x8;
	s6 =	sadd.s32 $0x2400, s6;
	[dreg:$0x9] =	wrdreg s21  }
0x14: {  	s0 =	sadd.s32 s1, s18;
	s18 =	simm.s32 $0xFA0;
	[dreg:$0x4] =	wrdreg s6  }
0x15: {  	s6 =	sadd.s32 s17, s2;
	s22 =	sadd.s32 $0x62000, s0;
	s23 =	sadd.s32 $0x62800, s0  }
0x16: {  	s13 =	sadd.s32 $0x63000, s0;
	s14 =	sadd.s32 $0x63800, s0;
	s0 =	sshrl.u32 s24, $0x3  }
0x17: {  	s17 =	sadd.s32 s4, s26;
	s24 =	simm.s32 $0x73A0;
	[dreg:$0xa] =	wrdreg s22  }
0x18: {  	s26 =	simm.s32 $0xB3A0;
	s4 =	simm.s32 $0x7;
	[dreg:$0xb] =	wrdreg s23  }
0x19: {  	s16 =	sadd.s32 s0, s1;
	s0 =	sshll.u32 @!p0 s11, $0x6;
	s21 =	sshrl.u32 @!p0 s6, $0x3  }
0x1a: {  	s22 =	simm.s32 $0x5;
	s23 =	simm.s32 $0x80;
	s1 =	simm.s32 $0x133A0  }
0x1b: {  	s6 =	simm.s32 $0x0;
	s20 =	sor.u32 @!p0 $0x1C09, s0;
	s0 =	simm.s32 $0x2  }
.LBB2_1:
0x1c: {  	s8 =	rddreg [dreg:$0x4]  }
0x1d: {  	[tilespmem:s18], [sflag:$0x5] =	stream.linear.gather [hbm4b:s8+s3], $0x6400, $0x38;
	[tilespmem:$0x173A0] =	vst v63  }
0x1e: {  	s9 =	rddreg [dreg:$0x6];
	s8 =	simm.s32 @p0 $0x1FC9  }
0x1f: {  	[spmem:s19], [sflag:s8] =	dma.local @p0 [hbm:s9], $0x140  }
0x20: {  	s8 =	simm.s32 @p0 $0x9  }
0x21: {  	_ =	swait.ge @p0 [sflag:s8], $0x140  }
0x22: {  	[sflag:s8] =	ssyncset.done @p0 $0x0  }
0x23: {  	[sflag:s8] =	ssyncadd.s32 @p0 $0xFFFFFEC0;
	s8 =	rddreg [dreg:$0x5]  }
0x24: {  	[spmem:s21], [sflag:s20] =	dma.local @!p0 [hbm:s8], $0x200  }
0x25: {  	s8 =	simm.s32 @!p0 $0x9  }
0x26: {  	_ =	swait.ge @!p0 [sflag:s8], $0x200  }
0x27: {  	[sflag:s8] =	ssyncset.done @!p0 $0x0  }
0x28: {  	[sflag:s8] =	ssyncadd.s32 @!p0 $0xFFFFFE00  }
0x29: {  	_ =	swait.ge [sflag:s22], $0x6400  }
0x2a: {  	[sflag:s22] =	ssyncset.done $0x0  }
0x2b: {  	[sflag:s22] =	ssyncadd.s32 $0xFFFF9C00  }
0x2c: {  	[bflag:$0x0] =	sbarrier.arrive $0xFFFF  }
0x2d: {  	[tilespmem:s24], [sflag:$0x1] =	stream.indirect.gather [spmem:s2], $0x80, s18, s23, $0xb8;
	[tilespmem:$0x173A0] =	vst v63  }
0x2e: {  	s9 =	simm.s32 $0x1020  }
0x2f: {  	[tilespmem:s26], [sflag:$0x2] =	stream.indirect.gather [spmem:s2], $0x80, s9, s23, $0xb8;
	[tilespmem:$0x173A0] =	vst v63  }
0x30: {  	s10 =	simm.s32 $0x10A0  }
0x31: {  	[tilespmem:s29], [sflag:$0x3] =	stream.indirect.gather [spmem:s2], $0x80, s10, s23, $0xb8;
	[tilespmem:$0x173A0] =	vst v63  }
0x32: {  	_ =	swait.ge [sflag:s30], $0x4000  }
0x33: {  	[sflag:s30] =	ssyncset.done $0x0  }
0x34: {  	[sflag:s30] =	ssyncadd.s32 $0xFFFFC000  }
0x35: {  	[hbm4b:s7+s3] =	stream.linear.scatter [tilespmem:s24], [sflag:$0x5], $0x4000, $0x38;
	[tilespmem:$0x173A0] =	vst v63  }
0x36: {  	s11 =	simm.s32 $0x1120  }
0x37: {  	[tilespmem:s1], [sflag:$0x4] =	stream.indirect.gather [spmem:s2], $0x80, s11, s23, $0xb8;
	[tilespmem:$0x173A0] =	vst v63  }
0x38: {  	_ =	swait.ge [sflag:s0], $0x4000  }
0x39: {  	[sflag:s0] =	ssyncset.done $0x0  }
0x3a: {  	s12 =	rddreg [dreg:$0x7];
	[sflag:s0] =	ssyncadd.s32 $0xFFFFC000  }
0x3b: {  	[hbm4b:s12+s3] =	stream.linear.scatter [tilespmem:s26], [sflag:$0x6], $0x4000, $0x38;
	[tilespmem:$0x173A0] =	vst v63  }
0x3c: {  	_ =	swait.ge [sflag:s22], $0x4000  }
0x3d: {  	[sflag:s22] =	ssyncset.done $0x0  }
0x3e: {  	s9 =	simm.s32 $0x11A0;
	[sflag:s22] =	ssyncadd.s32 $0xFFFFC000  }
0x3f: {  	[tilespmem:s24], [sflag:$0x1] =	stream.indirect.gather [spmem:s2], $0x80, s9, s23, $0xb8;
	[tilespmem:$0x173A0] =	vst v63  }
0x40: {  	_ =	swait.ge [sflag:s28], $0x4000  }
0x41: {  	[sflag:s28] =	ssyncset.done $0x0  }
0x42: {  	s10 =	rddreg [dreg:$0x8];
	[sflag:s28] =	ssyncadd.s32 $0xFFFFC000  }
0x43: {  	[hbm4b:s10+s3] =	stream.linear.scatter [tilespmem:s29], [sflag:$0x7], $0x4000, $0x38;
	[tilespmem:$0x173A0] =	vst v63  }
0x44: {  	_ =	swait.ge [sflag:s31], $0x4000  }
0x45: {  	[sflag:s31] =	ssyncset.done $0x0  }
0x46: {  	s11 =	simm.s32 $0x1220;
	[sflag:s31] =	ssyncadd.s32 $0xFFFFC000  }
0x47: {  	[tilespmem:s26], [sflag:$0x2] =	stream.indirect.gather [spmem:s2], $0x80, s11, s23, $0xb8;
	[tilespmem:$0x173A0] =	vst v63  }
0x48: {  	_ =	swait.ge [sflag:s25], $0x4000  }
0x49: {  	[sflag:s25] =	ssyncset.done $0x0  }
0x4a: {  	s12 =	rddreg [dreg:$0x9];
	[sflag:s25] =	ssyncadd.s32 $0xFFFFC000  }
0x4b: {  	[hbm4b:s12+s3] =	stream.linear.scatter [tilespmem:s1], [sflag:$0x8], $0x4000, $0x38;
	[tilespmem:$0x173A0] =	vst v63  }
0x4c: {  	_ =	swait.ge [sflag:s4], $0x4000  }
0x4d: {  	[sflag:s4] =	ssyncset.done $0x0  }
0x4e: {  	s9 =	simm.s32 $0x12A0;
	[sflag:s4] =	ssyncadd.s32 $0xFFFFC000  }
0x4f: {  	[tilespmem:s29], [sflag:$0x3] =	stream.indirect.gather [spmem:s2], $0x80, s9, s23, $0xb8;
	[tilespmem:$0x173A0] =	vst v63  }
0x50: {  	_ =	swait.ge [sflag:s30], $0x4000  }
0x51: {  	[sflag:s30] =	ssyncset.done $0x0  }
0x52: {  	s10 =	sadd.s32 $0x0, s16;
	[sflag:s30] =	ssyncadd.s32 $0xFFFFC000  }
0x53: {  	[hbm4b:s10+s3] =	stream.linear.scatter [tilespmem:s24], [sflag:$0x5], $0x4000, $0x38;
	[tilespmem:$0x173A0] =	vst v63  }
0x54: {  	_ =	swait.ge [sflag:s5], $0x4000  }
0x55: {  	[sflag:s5] =	ssyncset.done $0x0  }
0x56: {  	s11 =	simm.s32 $0x1320;
	[sflag:s5] =	ssyncadd.s32 $0xFFFFC000  }
0x57: {  	[tilespmem:s1], [sflag:$0x4] =	stream.indirect.gather [spmem:s2], $0x80, s11, s23, $0xb8;
	[tilespmem:$0x173A0] =	vst v63  }
0x58: {  	_ =	swait.ge [sflag:s0], $0x4000  }
0x59: {  	s8 =	sadd.s32 $0x0, s17;
	[sflag:s0] =	ssyncset.done $0x0  }
0x5a: {  	s12 =	sadd.s32 $0x2800, s8;
	[sflag:s0] =	ssyncadd.s32 $0xFFFFC000  }
0x5b: {  	[hbm4b:s12+s3] =	stream.linear.scatter [tilespmem:s26], [sflag:$0x6], $0x4000, $0x38;
	[tilespmem:$0x173A0] =	vst v63  }
0x5c: {  	_ =	swait.ge [sflag:s22], $0x4000  }
0x5d: {  	[sflag:s22] =	ssyncset.done $0x0  }
0x5e: {  	s10 =	simm.s32 $0x13A0;
	[sflag:s22] =	ssyncadd.s32 $0xFFFFC000  }
0x5f: {  	[tilespmem:s24], [sflag:$0x1] =	stream.indirect.gather [spmem:s2], $0x80, s10, s23, $0xb8;
	[tilespmem:$0x173A0] =	vst v63  }
0x60: {  	_ =	swait.ge [sflag:s28], $0x4000  }
0x61: {  	[sflag:s28] =	ssyncset.done $0x0  }
0x62: {  	s11 =	sadd.s32 $0x3000, s8;
	[sflag:s28] =	ssyncadd.s32 $0xFFFFC000  }
0x63: {  	[hbm4b:s11+s3] =	stream.linear.scatter [tilespmem:s29], [sflag:$0x7], $0x4000, $0x38;
	[tilespmem:$0x173A0] =	vst v63  }
0x64: {  	_ =	swait.ge [sflag:s31], $0x4000  }
0x65: {  	[sflag:s31] =	ssyncset.done $0x0  }
0x66: {  	s12 =	simm.s32 $0x1420;
	[sflag:s31] =	ssyncadd.s32 $0xFFFFC000  }
0x67: {  	[tilespmem:s26], [sflag:$0x2] =	stream.indirect.gather [spmem:s2], $0x80, s12, s23, $0xb8;
	[tilespmem:$0x173A0] =	vst v63  }
0x68: {  	_ =	swait.ge [sflag:s25], $0x4000  }
0x69: {  	[sflag:s25] =	ssyncset.done $0x0  }
0x6a: {  	s8 =	sadd.s32 $0x3800, s8;
	[sflag:s25] =	ssyncadd.s32 $0xFFFFC000  }
0x6b: {  	[hbm4b:s8+s3] =	stream.linear.scatter [tilespmem:s1], [sflag:$0x8], $0x4000, $0x38;
	[tilespmem:$0x173A0] =	vst v63  }
0x6c: {  	_ =	swait.ge [sflag:s4], $0x4000  }
0x6d: {  	s9 =	simm.s32 $0x2000;
	[sflag:s4] =	ssyncset.done $0x0  }
0x6e: {  	s10 =	simm.s32 $0x16A0;
	s8 =	simm.s32 $0x14A0;
	[sflag:s4] =	ssyncadd.s32 $0xFFFFC000  }
.LBB2_2:
0x6f: {  	[tilespmem:s29], [sflag:$0x3] =	stream.indirect.gather [spmem:s2], $0x80, s8, s23, $0xb8;
	[tilespmem:$0x173A0] =	vst v63  }
0x70: {  	s11 =	smov.u32 s9;
	s8 =	smov.u32 s10  }
0x71: {  	p1 =	sne.s32 s9, $0x5E000;
	s9 =	sadd.s32 $0x2000, s9;
	_ =	swait.ge [sflag:s30], $0x4000  }
0x72: {  	[sflag:s30] =	ssyncset.done $0x0  }
0x73: {  	s12 =	sadd.s32 s11, s16;
	[sflag:s30] =	ssyncadd.s32 $0xFFFFC000  }
0x74: {  	[hbm4b:s12+s3] =	stream.linear.scatter [tilespmem:s24], [sflag:$0x5], $0x4000, $0x38;
	[tilespmem:$0x173A0] =	vst v63  }
0x75: {  	_ =	swait.ge [sflag:s5], $0x4000  }
0x76: {  	[sflag:s5] =	ssyncset.done $0x0  }
0x77: {  	s12 =	sadd.s32 $0xFFFFFE80, s10;
	[sflag:s5] =	ssyncadd.s32 $0xFFFFC000  }
0x78: {  	[tilespmem:s1], [sflag:$0x4] =	stream.indirect.gather [spmem:s2], $0x80, s12, s23, $0xb8;
	[tilespmem:$0x173A0] =	vst v63  }
0x79: {  	_ =	swait.ge [sflag:s0], $0x4000  }
0x7a: {  	s11 =	sadd.s32 s11, s17;
	[sflag:s0] =	ssyncset.done $0x0  }
0x7b: {  	s12 =	sadd.s32 $0x2800, s11;
	[sflag:s0] =	ssyncadd.s32 $0xFFFFC000  }
0x7c: {  	[hbm4b:s12+s3] =	stream.linear.scatter [tilespmem:s26], [sflag:$0x6], $0x4000, $0x38;
	[tilespmem:$0x173A0] =	vst v63  }
0x7d: {  	_ =	swait.ge [sflag:s22], $0x4000  }
0x7e: {  	[sflag:s22] =	ssyncset.done $0x0  }
0x7f: {  	s12 =	sadd.s32 $0xFFFFFF00, s10;
	[sflag:s22] =	ssyncadd.s32 $0xFFFFC000  }
0x80: {  	[tilespmem:s24], [sflag:$0x1] =	stream.indirect.gather [spmem:s2], $0x80, s12, s23, $0xb8;
	[tilespmem:$0x173A0] =	vst v63  }
0x81: {  	_ =	swait.ge [sflag:s28], $0x4000  }
0x82: {  	[sflag:s28] =	ssyncset.done $0x0  }
0x83: {  	s12 =	sadd.s32 $0x3000, s11;
	[sflag:s28] =	ssyncadd.s32 $0xFFFFC000  }
0x84: {  	[hbm4b:s12+s3] =	stream.linear.scatter [tilespmem:s29], [sflag:$0x7], $0x4000, $0x38;
	[tilespmem:$0x173A0] =	vst v63  }
0x85: {  	_ =	swait.ge [sflag:s31], $0x4000  }
0x86: {  	[sflag:s31] =	ssyncset.done $0x0  }
0x87: {  	s12 =	sadd.s32 $0xFFFFFF80, s10;
	[sflag:s31] =	ssyncadd.s32 $0xFFFFC000  }
0x88: {  	[tilespmem:s26], [sflag:$0x2] =	stream.indirect.gather [spmem:s2], $0x80, s12, s23, $0xb8;
	[tilespmem:$0x173A0] =	vst v63  }
0x89: {  	_ =	swait.ge [sflag:s25], $0x4000  }
0x8a: {  	[sflag:s25] =	ssyncset.done $0x0  }
.Ltmp0:
0x8b: {  	s11 =	sadd.s32 $0x3800, s11;
	[sflag:s25] =	ssyncadd.s32 $0xFFFFC000;
	(pc) =	sbr.rel @p1 .LBB2_2-.Ltmp0, $4  }
0x8c: {  	[hbm4b:s11+s3] =	stream.linear.scatter [tilespmem:s1], [sflag:$0x8], $0x4000, $0x38;
	[tilespmem:$0x173A0] =	vst v63  }
0x8d: {  	_ =	swait.ge [sflag:s4], $0x4000  }
0x8e: {  	[sflag:s4] =	ssyncset.done $0x0  }
0x8f: {  	s10 =	sadd.s32 $0x200, s10;
	[sflag:s4] =	ssyncadd.s32 $0xFFFFC000  }
0x90: {  	[tilespmem:s29], [sflag:$0x3] =	stream.indirect.gather [spmem:s2], $0x80, s8, s23, $0xb8;
	[tilespmem:$0x173A0] =	vst v63  }
0x91: {  	_ =	swait.ge [sflag:s30], $0x4000  }
0x92: {  	[sflag:s30] =	ssyncset.done $0x0  }
0x93: {  	s10 =	rddreg [dreg:$0xa];
	[sflag:s30] =	ssyncadd.s32 $0xFFFFC000  }
0x94: {  	[hbm4b:s10+s3] =	stream.linear.scatter [tilespmem:s24], [sflag:$0x5], $0x4000, $0x38;
	[tilespmem:$0x173A0] =	vst v63  }
0x95: {  	_ =	swait.ge [sflag:s5], $0x4000  }
0x96: {  	[sflag:s5] =	ssyncset.done $0x0  }
0x97: {  	s11 =	simm.s32 $0x7320;
	[sflag:s5] =	ssyncadd.s32 $0xFFFFC000  }
0x98: {  	[tilespmem:s1], [sflag:$0x4] =	stream.indirect.gather [spmem:s2], $0x80, s11, s23, $0xb8;
	[tilespmem:$0x173A0] =	vst v63  }
0x99: {  	_ =	swait.ge [sflag:s0], $0x4000  }
0x9a: {  	[sflag:s0] =	ssyncset.done $0x0  }
0x9b: {  	s12 =	rddreg [dreg:$0xb];
	[sflag:s0] =	ssyncadd.s32 $0xFFFFC000  }
0x9c: {  	[hbm4b:s12+s3] =	stream.linear.scatter [tilespmem:s26], [sflag:$0x6], $0x4000, $0x38;
	[tilespmem:$0x173A0] =	vst v63  }
0x9d: {  	_ =	swait.ge [sflag:s28], $0x4000  }
0x9e: {  	[sflag:s28] =	ssyncset.done $0x0  }
0x9f: {  	[sflag:s28] =	ssyncadd.s32 $0xFFFFC000  }
0xa0: {  	[hbm4b:s13+s3] =	stream.linear.scatter [tilespmem:s29], [sflag:$0x7], $0x4000, $0x38;
	[tilespmem:$0x173A0] =	vst v63  }
0xa1: {  	_ =	swait.ge [sflag:s25], $0x4000  }
0xa2: {  	[sflag:s25] =	ssyncset.done $0x0  }
0xa3: {  	[sflag:s25] =	ssyncadd.s32 $0xFFFFC000  }
0xa4: {  	[hbm4b:s14+s3] =	stream.linear.scatter [tilespmem:s1], [sflag:$0x8], $0x4000, $0x38;
	[tilespmem:$0x173A0] =	vst v63  }
0xa5: {  	_ =	swait.ge [sflag:s22], $0x4000  }
0xa6: {  	[sflag:s22] =	ssyncset.done $0x0  }
0xa7: {  	[sflag:s22] =	ssyncadd.s32 $0xFFFFC000  }
0xa8: {  	_ =	swait.ge [sflag:s31], $0x4000  }
0xa9: {  	[sflag:s31] =	ssyncset.done $0x0  }
0xaa: {  	s6 =	sadd.s32 $0x1, s6;
	[sflag:s31] =	ssyncadd.s32 $0xFFFFC000  }
0xab: {  	p1 =	sne.s32 s6, s15;
	_ =	swait.ge [sflag:s4], $0x4000  }
.Ltmp1:
0xac: {  	[sflag:s4] =	ssyncset.done $0x0;
	(pc) =	sbr.rel @p1 .LBB2_1-.Ltmp1, $4  }
0xad: {  	[sflag:s4] =	ssyncadd.s32 $0xFFFFC000  }
0xae: {  	_ =	swait.ge [sflag:s5], $0x4000  }
0xaf: {  	[sflag:s5] =	ssyncset.done $0x0  }
0xb0: {  	[sflag:s5] =	ssyncadd.s32 $0xFFFFC000  }
0xb1: {  	_ =	sfence.sel $0x180000  }
0xb2: {  	[bflag:$0x0] =	sbarrier.arrive $0xFFFF  }
0xb3: {  	_ =	strace $0x90000047  }
0xb4: {  	s0 =	stileid.u32;
	[bflag:$0x2] =	sbarrier.arrive $0xFFFF  }
0xb5: {  	p0 =	sne.s32 s0, $0x0;
	s0 =	rddreg [dreg:$0x3]  }
0xb6: {  	s0 =	sadd.s32 @!p0 $0x100000, s0  }
0xb7: {  	[sflag:s0] =	ssyncadd.tile.s32 @!p0 $0x1;
	_ =	shalt  }
.Lfunc_end2:
_tile_overlayer_lowered:
.L_overlay_start_2:
0xb8: {  	(tag) =	ssettag $0x2  }
0xb9: {  	s0 =	rddreg [dreg:$0x0];
	s2 =	stileid.u32  }
0xba: {  	s1 =	rddreg [dreg:$0x1];
	p0 =	sne.s32 s2, $0x0  }
0xbb: {  	s3 =	rddreg [dreg:$0x2];
	[bflag:$0x3] =	sbarrier.arrive $0xFFFF;
	s2 =	simm.s32 @!p0 $0x1C09  }
0xbc: {  	[timem:s3], [sflag:s2] =	dma.local @!p0 [hbm:s0], s1  }
0xbd: {  	s0 =	simm.s32 @!p0 $0x9  }
0xbe: {  	_ =	swait.ge @!p0 [sflag:s0], s1  }
0xbf: {  	s1 =	ssub.s32 @!p0 $0x0, s1;
	[sflag:s0] =	ssyncset.done @!p0 $0x0  }
0xc0: {  	[sflag:s0] =	ssyncadd.s32 @!p0 s1  }
0xc1: {  	[bflag:$0x3] =	sbarrier.arrive $0xFFFF  }
0xc2: {  	_ =	shalt  }

</sc_bundles>
